<compile_context>
chip_gen: v7x
topology: tpu7x:2x2x1
jax: 0.10.2.dev20260603
libtpu: 0.0.44.dev20260713+nightly
codegen_flags: <defaults>
</compile_context>

<pallas_src>
import functools

import jax
import jax.numpy as jnp
from jax import lax
from jax.experimental import pallas as pl
from jax.experimental.pallas import tpu as pltpu
from jax.experimental.pallas import tpu_sc as plsc

_H = 224
_W = 224
_HW = _W // 2
_F = 4
_DSUB = 128
_LANES = 16
_VJ = _DSUB // _LANES
_NWORKERS = 32
_SLABS = _F * _H
_PER_W = _SLABS // _NWORKERS


def _materialize(cw, rw, fw):
    mesh = plsc.VectorSubcoreMesh(core_axis_name="c", subcore_axis_name="s")

    @functools.partial(
        pl.kernel,
        mesh=mesh,
        out_type=jax.ShapeDtypeStruct((_F, _H, _W, 3 * _DSUB), jnp.float32),
        scratch_types=[
            pltpu.VMEM((_HW, _DSUB), jnp.float32),
            pltpu.VMEM((_HW, _DSUB), jnp.float32),
            pltpu.VMEM((_W, _DSUB), jnp.float32),
            pltpu.VMEM((_W, _DSUB), jnp.float32),
            pltpu.VMEM((_H, _DSUB), jnp.float32),
            pltpu.VMEM((_F, _DSUB), jnp.float32),
            pltpu.SemaphoreType.DMA,
            pltpu.SemaphoreType.DMA,
            pltpu.SemaphoreType.DMA,
        ],
    )
    def kern(cw_hbm, rw_hbm, fw_hbm, x_hbm, cbuf_a, cbuf_b, rbuf, fbuf,
             cstage, fstage, sem_a, sem_b, sem_rf):
        wid = lax.axis_index("s") * 2 + lax.axis_index("c")
        per_k = _H // _PER_W
        kk = wid // per_k
        ibase = (wid % per_k) * _PER_W

        stage = [
            pltpu.make_async_copy(rw_hbm.at[pl.ds(0, _W)], rbuf, sem_a),
            pltpu.make_async_copy(cw_hbm.at[pl.ds(0, _H)], cstage, sem_a),
            pltpu.make_async_copy(fw_hbm.at[pl.ds(0, _F)], fstage, sem_a),
        ]
        for c in stage:
            c.start()
        for c in stage:
            c.wait()

        def fill(buf, vecs):
            def row(j, carry):
                for m in range(_VJ):
                    buf[j, pl.ds(m * _LANES, _LANES)] = vecs[m]
                return carry

            lax.fori_loop(0, _HW, row, 0)

        def start2(buf, ii, dlo, sem):
            for jlo in (0, _HW):
                pltpu.make_async_copy(
                    buf, x_hbm.at[kk, ii, pl.ds(jlo, _HW), pl.ds(dlo, _DSUB)],
                    sem).start()

        def wait2(buf, dlo, sem):
            for jlo in (0, _HW):
                pltpu.make_async_copy(
                    buf, x_hbm.at[kk, ibase, pl.ds(jlo, _HW),
                                  pl.ds(dlo, _DSUB)], sem).wait()

        def ffill(j, carry):
            for m in range(_VJ):
                fbuf[j, pl.ds(m * _LANES, _LANES)] = fvecs[m]
            return carry

        fvecs = [fstage[kk, pl.ds(m * _LANES, _LANES)] for m in range(_VJ)]
        lax.fori_loop(0, _W, ffill, 0)

        def step(p, carry):
            ii = ibase + p

            pltpu.make_async_copy(
                rbuf, x_hbm.at[kk, ii, :, pl.ds(_DSUB, _DSUB)], sem_rf).start()
            pltpu.make_async_copy(
                fbuf, x_hbm.at[kk, ii, :, pl.ds(2 * _DSUB, _DSUB)],
                sem_rf).start()

            @pl.when(p % 2 == 0)
            def _():
                @pl.when(p >= 2)
                def _():
                    wait2(cbuf_a, 0, sem_a)

                fill(cbuf_a, [cstage[ii, pl.ds(m * _LANES, _LANES)]
                              for m in range(_VJ)])
                start2(cbuf_a, ii, 0, sem_a)

            @pl.when(p % 2 == 1)
            def _():
                @pl.when(p >= 3)
                def _():
                    wait2(cbuf_b, 0, sem_b)

                fill(cbuf_b, [cstage[ii, pl.ds(m * _LANES, _LANES)]
                              for m in range(_VJ)])
                start2(cbuf_b, ii, 0, sem_b)

            return carry

        lax.fori_loop(0, _PER_W, step, 0)

        wait2(cbuf_a, 0, sem_a)
        wait2(cbuf_b, 0, sem_b)

        def drain(p, carry):
            pltpu.make_async_copy(
                rbuf, x_hbm.at[kk, ibase, :, pl.ds(_DSUB, _DSUB)],
                sem_rf).wait()
            pltpu.make_async_copy(
                fbuf, x_hbm.at[kk, ibase, :, pl.ds(2 * _DSUB, _DSUB)],
                sem_rf).wait()
            return carry

        lax.fori_loop(0, _PER_W, drain, 0)

    return kern(cw, rw, fw)


def kernel(patch, num_views, row_weight, col_weight, frame_weight):
    x = _materialize(col_weight, row_weight, frame_weight)
    return jnp.transpose(x, (0, 3, 1, 2))

# --- scband reference (transcript-rebuilt; emitter-appended) ---
"""Pipeline reference for scband-position-embedding-learned-82884278879198 (READ-ONLY COPY).

The authoritative reference and input builder live on the scoring server;
editing this copy changes nothing except your own understanding.
"""

import jax, jax.numpy as jnp
import numpy as np

NUM_POS = 512
NUM_POS_FEATS = (128, 128, 128)

def setup_inputs(seed: int = 0) -> dict:
    key = jax.random.key(seed)
    k1, k2, k3, k4 = jax.random.split(key, 4)
    patch = jax.random.normal(k1, (16, 3, 224, 224), dtype=jnp.float32)
    row_weight = jax.random.uniform(k2, (NUM_POS, NUM_POS_FEATS[0]), dtype=jnp.float32)
    col_weight = jax.random.uniform(k3, (NUM_POS, NUM_POS_FEATS[1]), dtype=jnp.float32)
    frame_weight = jax.random.uniform(k4, (NUM_POS, NUM_POS_FEATS[2]), dtype=jnp.float32)
    return {"patch": patch, "num_views": 4, "row_weight": row_weight, "col_weight": col_weight, "frame_weight": frame_weight}

def reference(patch, num_views, row_weight, col_weight, frame_weight):
    h, w = patch.shape[2], patch.shape[3]
    f = 4
    i = jnp.arange(h)
    j = jnp.arange(w)
    k = jnp.arange(f) + (num_views - num_views)
    x_emb = jnp.take(col_weight, i, axis=0)   # (h, d0)
    y_emb = jnp.take(row_weight, j, axis=0)   # (w, d1)
    z_emb = jnp.take(frame_weight, k, axis=0) # (f, d2)
    d0 = x_emb.shape[-1]
    d1 = y_emb.shape[-1]
    d2 = z_emb.shape[-1]
    x_rep = jnp.broadcast_to(x_emb[:, None, None, :], (h, w, f, d0))
    y_rep = jnp.broadcast_to(y_emb[None, :, None, :], (h, w, f, d1))
    z_rep = jnp.broadcast_to(z_emb[None, None, :, :], (h, w, f, d2))
    pos = jnp.concatenate([x_rep, y_rep, z_rep], axis=-1)  # (h, w, f, D)
    pos = jnp.transpose(pos, (2, 3, 0, 1))                 # (f, D, h, w)
    return pos

if __name__ == "__main__":
    import jax
    _d = setup_inputs()
    print(jax.jit(kernel)(*tuple(_d.values())))

</pallas_src>

<mosaic_0001>
#map = affine_map<(d0, d1) -> (0, 0)>
#map1 = affine_map<(d0, d1) -> (0, 0, 0, 0)>
module attributes {stable_mosaic.version = 14 : i64} {
  func.func @kern(%arg0: i32, %arg1: i32, %arg2: memref<512x128xf32, #tpu.memory_space<hbm>>, %arg3: memref<512x128xf32, #tpu.memory_space<hbm>>, %arg4: memref<512x128xf32, #tpu.memory_space<hbm>>, %arg5: memref<4x224x224x384xf32, #tpu.memory_space<hbm>>, %arg6: memref<112x128xf32, #tpu.memory_space<vmem>>, %arg7: memref<112x128xf32, #tpu.memory_space<vmem>>, %arg8: memref<224x128xf32, #tpu.memory_space<vmem>>, %arg9: memref<224x128xf32, #tpu.memory_space<vmem>>, %arg10: memref<224x128xf32, #tpu.memory_space<vmem>>, %arg11: memref<4x128xf32, #tpu.memory_space<vmem>>, %arg12: memref<!tpu.dma_semaphore, #tpu.memory_space<semaphore_mem>>, %arg13: memref<!tpu.dma_semaphore, #tpu.memory_space<semaphore_mem>>, %arg14: memref<!tpu.dma_semaphore, #tpu.memory_space<semaphore_mem>>) attributes {dimension_semantics = [#tpu.dimension_semantics<core_parallel>, #tpu.dimension_semantics<subcore_parallel>], iteration_bounds = array<i64: 2, 16>, scalar_prefetch = 0 : i64, scratch_operands = 9 : i64, tpu.core_type = #tpu.core_type<sc_vector_subcore>, window_params = [{transform_indices = #map}, {transform_indices = #map}, {transform_indices = #map}, {transform_indices = #map1}]} {
    %mul3A = arith.constant 2 : i32
    %mul3A_0 = arith.muli %arg1, %mul3A : i32
    %add3A = arith.addi %mul3A_0, %arg0 : i32
    %jit3A = arith.constant 8 : i32
    %div3A = arith.divsi %add3A, %jit3A : i32
    %sign3A = arith.constant 0 : i32
    %sign3A_1 = arith.cmpi sgt, %add3A, %sign3A : i32
    %sign3A_2 = arith.extui %sign3A_1 : i1 to i32
    %sign3A_3 = arith.constant 0 : i32
    %sign3A_4 = arith.cmpi slt, %add3A, %sign3A_3 : i32
    %sign3A_5 = arith.extui %sign3A_4 : i1 to i32
    %sign3A_6 = arith.subi %sign3A_2, %sign3A_5 : i32
    %sign3A_7 = arith.constant 0 : i32
    %sign3A_8 = arith.cmpi sgt, %jit3A, %sign3A_7 : i32
    %sign3A_9 = arith.extui %sign3A_8 : i1 to i32
    %sign3A_10 = arith.constant 0 : i32
    %sign3A_11 = arith.cmpi slt, %jit3A, %sign3A_10 : i32
    %sign3A_12 = arith.extui %sign3A_11 : i1 to i32
    %sign3A_13 = arith.subi %sign3A_9, %sign3A_12 : i32
    %ne3A = arith.cmpi ne, %sign3A_6, %sign3A_13 : i32
    %rem3A = arith.remsi %add3A, %jit3A : i32
    %ne3A_14 = arith.constant 0 : i32
    %ne3A_15 = arith.cmpi ne, %rem3A, %ne3A_14 : i32
    %and3A = arith.andi %ne3A, %ne3A_15 : i1
    %sub3A = arith.constant 1 : i32
    %sub3A_16 = arith.subi %div3A, %sub3A : i32
    %select_n3A = arith.select %and3A, %sub3A_16, %div3A : i32
    %jit3A_17 = arith.constant 8 : i32
    %eq3A = arith.constant 0 : i32
    %eq3A_18 = arith.cmpi eq, %jit3A_17, %eq3A : i32
    %jit3A_19 = arith.constant 1 : i32
    %select_n3A_20 = arith.select %eq3A_18, %jit3A_19, %jit3A_17 : i32
    %rem3A_21 = arith.remsi %add3A, %select_n3A_20 : i32
    %ne3A_22 = arith.constant 0 : i32
    %ne3A_23 = arith.cmpi ne, %rem3A_21, %ne3A_22 : i32
    %lt3A = arith.constant 0 : i32
    %lt3A_24 = arith.cmpi slt, %rem3A_21, %lt3A : i32
    %lt3A_25 = arith.constant 0 : i32
    %lt3A_26 = arith.cmpi slt, %select_n3A_20, %lt3A_25 : i32
    %ne3A_27 = arith.xori %lt3A_24, %lt3A_26 : i1
    %and3A_28 = arith.andi %ne3A_27, %ne3A_23 : i1
    %add3A_29 = arith.addi %rem3A_21, %select_n3A_20 : i32
    %select_n3A_30 = arith.select %and3A_28, %add3A_29, %rem3A_21 : i32
    %mul3A_31 = arith.constant 28 : i32
    %mul3A_32 = arith.muli %select_n3A_30, %mul3A_31 : i32
    %dma_start3A = arith.constant 0 : i32
    %dma_start3A_33 = arith.constant 0 : i32
    %dma_start3A_34 = tpu.memref_slice %arg3[%dma_start3A, %dma_start3A_33] : memref<512x128xf32, #tpu.memory_space<hbm>> -> memref<224x128xf32, #tpu.memory_space<hbm>>
    %dma_start3A_35 = arith.constant 0 : i32
    %dma_start3A_36 = arith.constant 0 : i32
    %dma_start3A_37 = tpu.memref_slice %arg3[%dma_start3A_35, %dma_start3A_36] : memref<512x128xf32, #tpu.memory_space<hbm>> -> memref<224x128xf32, #tpu.memory_space<hbm>>
    tpu.enqueue_dma source(%dma_start3A_37 : memref<224x128xf32, #tpu.memory_space<hbm>>) target(%arg8 : memref<224x128xf32, #tpu.memory_space<vmem>>) target_semaphore(%arg12 : memref<!tpu.dma_semaphore, #tpu.memory_space<semaphore_mem>>)
    %dma_start3A_38 = arith.constant 0 : i32
    %dma_start3A_39 = arith.constant 0 : i32
    %dma_start3A_40 = tpu.memref_slice %arg2[%dma_start3A_38, %dma_start3A_39] : memref<512x128xf32, #tpu.memory_space<hbm>> -> memref<224x128xf32, #tpu.memory_space<hbm>>
    %dma_start3A_41 = arith.constant 0 : i32
    %dma_start3A_42 = arith.constant 0 : i32
    %dma_start3A_43 = tpu.memref_slice %arg2[%dma_start3A_41, %dma_start3A_42] : memref<512x128xf32, #tpu.memory_space<hbm>> -> memref<224x128xf32, #tpu.memory_space<hbm>>
    tpu.enqueue_dma source(%dma_start3A_43 : memref<224x128xf32, #tpu.memory_space<hbm>>) target(%arg10 : memref<224x128xf32, #tpu.memory_space<vmem>>) target_semaphore(%arg12 : memref<!tpu.dma_semaphore, #tpu.memory_space<semaphore_mem>>)
    %dma_start3A_44 = arith.constant 0 : i32
    %dma_start3A_45 = arith.constant 0 : i32
    %dma_start3A_46 = tpu.memref_slice %arg4[%dma_start3A_44, %dma_start3A_45] : memref<512x128xf32, #tpu.memory_space<hbm>> -> memref<4x128xf32, #tpu.memory_space<hbm>>
    %dma_start3A_47 = arith.constant 0 : i32
    %dma_start3A_48 = arith.constant 0 : i32
    %dma_start3A_49 = tpu.memref_slice %arg4[%dma_start3A_47, %dma_start3A_48] : memref<512x128xf32, #tpu.memory_space<hbm>> -> memref<4x128xf32, #tpu.memory_space<hbm>>
    tpu.enqueue_dma source(%dma_start3A_49 : memref<4x128xf32, #tpu.memory_space<hbm>>) target(%arg11 : memref<4x128xf32, #tpu.memory_space<vmem>>) target_semaphore(%arg12 : memref<!tpu.dma_semaphore, #tpu.memory_space<semaphore_mem>>)
    %dma_wait3A = arith.constant 0 : i32
    %dma_wait3A_50 = arith.constant 0 : i32
    %dma_wait3A_51 = tpu.memref_slice %arg3[%dma_wait3A, %dma_wait3A_50] : memref<512x128xf32, #tpu.memory_space<hbm>> -> memref<224x128xf32, #tpu.memory_space<hbm>>
    %dma_wait3A_52 = arith.constant 0 : i32
    %dma_wait3A_53 = arith.constant 0 : i32
    %dma_wait3A_54 = tpu.memref_slice %arg3[%dma_wait3A_52, %dma_wait3A_53] : memref<512x128xf32, #tpu.memory_space<hbm>> -> memref<224x128xf32, #tpu.memory_space<hbm>>
    tpu.wait_dma2 semaphore(%arg12 : memref<!tpu.dma_semaphore, #tpu.memory_space<semaphore_mem>>) src(%dma_wait3A_54 : memref<224x128xf32, #tpu.memory_space<hbm>>) dst(%arg8 : memref<224x128xf32, #tpu.memory_space<vmem>>)
    %dma_wait3A_55 = arith.constant 0 : i32
    %dma_wait3A_56 = arith.constant 0 : i32
    %dma_wait3A_57 = tpu.memref_slice %arg2[%dma_wait3A_55, %dma_wait3A_56] : memref<512x128xf32, #tpu.memory_space<hbm>> -> memref<224x128xf32, #tpu.memory_space<hbm>>
    %dma_wait3A_58 = arith.constant 0 : i32
    %dma_wait3A_59 = arith.constant 0 : i32
    %dma_wait3A_60 = tpu.memref_slice %arg2[%dma_wait3A_58, %dma_wait3A_59] : memref<512x128xf32, #tpu.memory_space<hbm>> -> memref<224x128xf32, #tpu.memory_space<hbm>>
    tpu.wait_dma2 semaphore(%arg12 : memref<!tpu.dma_semaphore, #tpu.memory_space<semaphore_mem>>) src(%dma_wait3A_60 : memref<224x128xf32, #tpu.memory_space<hbm>>) dst(%arg10 : memref<224x128xf32, #tpu.memory_space<vmem>>)
    %dma_wait3A_61 = arith.constant 0 : i32
    %dma_wait3A_62 = arith.constant 0 : i32
    %dma_wait3A_63 = tpu.memref_slice %arg4[%dma_wait3A_61, %dma_wait3A_62] : memref<512x128xf32, #tpu.memory_space<hbm>> -> memref<4x128xf32, #tpu.memory_space<hbm>>
    %dma_wait3A_64 = arith.constant 0 : i32
    %dma_wait3A_65 = arith.constant 0 : i32
    %dma_wait3A_66 = tpu.memref_slice %arg4[%dma_wait3A_64, %dma_wait3A_65] : memref<512x128xf32, #tpu.memory_space<hbm>> -> memref<4x128xf32, #tpu.memory_space<hbm>>
    tpu.wait_dma2 semaphore(%arg12 : memref<!tpu.dma_semaphore, #tpu.memory_space<semaphore_mem>>) src(%dma_wait3A_66 : memref<4x128xf32, #tpu.memory_space<hbm>>) dst(%arg11 : memref<4x128xf32, #tpu.memory_space<vmem>>)
    %get3A = arith.index_cast %select_n3A : i32 to index
    %get3A_67 = arith.constant 0 : index
    %get3A_68 = tpu.vector_load %arg11[%get3A, %get3A_67] {strides = array<i32>} : memref<4x128xf32, #tpu.memory_space<vmem>>, vector<1x16xf32>,
    %get3A_69 = vector.shape_cast %get3A_68 : vector<1x16xf32> to vector<16xf32>
    %get3A_70 = arith.index_cast %select_n3A : i32 to index
    %get3A_71 = arith.constant 16 : index
    %get3A_72 = tpu.vector_load %arg11[%get3A_70, %get3A_71] {strides = array<i32>} : memref<4x128xf32, #tpu.memory_space<vmem>>, vector<1x16xf32>,
    %get3A_73 = vector.shape_cast %get3A_72 : vector<1x16xf32> to vector<16xf32>
    %get3A_74 = arith.index_cast %select_n3A : i32 to index
    %get3A_75 = arith.constant 32 : index
    %get3A_76 = tpu.vector_load %arg11[%get3A_74, %get3A_75] {strides = array<i32>} : memref<4x128xf32, #tpu.memory_space<vmem>>, vector<1x16xf32>,
    %get3A_77 = vector.shape_cast %get3A_76 : vector<1x16xf32> to vector<16xf32>
    %get3A_78 = arith.index_cast %select_n3A : i32 to index
    %get3A_79 = arith.constant 48 : index
    %get3A_80 = tpu.vector_load %arg11[%get3A_78, %get3A_79] {strides = array<i32>} : memref<4x128xf32, #tpu.memory_space<vmem>>, vector<1x16xf32>,
    %get3A_81 = vector.shape_cast %get3A_80 : vector<1x16xf32> to vector<16xf32>
    %get3A_82 = arith.index_cast %select_n3A : i32 to index
    %get3A_83 = arith.constant 64 : index
    %get3A_84 = tpu.vector_load %arg11[%get3A_82, %get3A_83] {strides = array<i32>} : memref<4x128xf32, #tpu.memory_space<vmem>>, vector<1x16xf32>,
    %get3A_85 = vector.shape_cast %get3A_84 : vector<1x16xf32> to vector<16xf32>
    %get3A_86 = arith.index_cast %select_n3A : i32 to index
    %get3A_87 = arith.constant 80 : index
    %get3A_88 = tpu.vector_load %arg11[%get3A_86, %get3A_87] {strides = array<i32>} : memref<4x128xf32, #tpu.memory_space<vmem>>, vector<1x16xf32>,
    %get3A_89 = vector.shape_cast %get3A_88 : vector<1x16xf32> to vector<16xf32>
    %get3A_90 = arith.index_cast %select_n3A : i32 to index
    %get3A_91 = arith.constant 96 : index
    %get3A_92 = tpu.vector_load %arg11[%get3A_90, %get3A_91] {strides = array<i32>} : memref<4x128xf32, #tpu.memory_space<vmem>>, vector<1x16xf32>,
    %get3A_93 = vector.shape_cast %get3A_92 : vector<1x16xf32> to vector<16xf32>
    %get3A_94 = arith.index_cast %select_n3A : i32 to index
    %get3A_95 = arith.constant 112 : index
    %get3A_96 = tpu.vector_load %arg11[%get3A_94, %get3A_95] {strides = array<i32>} : memref<4x128xf32, #tpu.memory_space<vmem>>, vector<1x16xf32>,
    %get3A_97 = vector.shape_cast %get3A_96 : vector<1x16xf32> to vector<16xf32>
    %scan3A = arith.constant 0 : i32
    %scan3A_98 = arith.constant 0 : i32
    %scan3A_99 = arith.constant 224 : i32
    %scan3A_100 = arith.addi %scan3A_98, %scan3A_99 : i32
    %scan3A_101 = arith.constant 1 : i32
    scf.for %scan3A_147 = %scan3A_98 to %scan3A_100 step %scan3A_101  : i32 {
      %swap3A = arith.index_cast %scan3A_147 : i32 to index
      %swap3A_148 = arith.constant 0 : index
      %swap3A_149 = tpu.vector_load %arg9[%swap3A, %swap3A_148] {strides = array<i32>} : memref<224x128xf32, #tpu.memory_space<vmem>>, vector<1x16xf32>,
      %swap3A_150 = vector.shape_cast %swap3A_149 : vector<1x16xf32> to vector<16xf32>
      %swap3A_151 = vector.shape_cast %get3A_69 : vector<16xf32> to vector<1x16xf32>
      tpu.vector_store %arg9[%swap3A, %swap3A_148], %swap3A_151 {strides = array<i32>} : memref<224x128xf32, #tpu.memory_space<vmem>>, vector<1x16xf32>,
      %swap3A_152 = arith.index_cast %scan3A_147 : i32 to index
      %swap3A_153 = arith.constant 16 : index
      %swap3A_154 = tpu.vector_load %arg9[%swap3A_152, %swap3A_153] {strides = array<i32>} : memref<224x128xf32, #tpu.memory_space<vmem>>, vector<1x16xf32>,
      %swap3A_155 = vector.shape_cast %swap3A_154 : vector<1x16xf32> to vector<16xf32>
      %swap3A_156 = vector.shape_cast %get3A_73 : vector<16xf32> to vector<1x16xf32>
      tpu.vector_store %arg9[%swap3A_152, %swap3A_153], %swap3A_156 {strides = array<i32>} : memref<224x128xf32, #tpu.memory_space<vmem>>, vector<1x16xf32>,
      %swap3A_157 = arith.index_cast %scan3A_147 : i32 to index
      %swap3A_158 = arith.constant 32 : index
      %swap3A_159 = tpu.vector_load %arg9[%swap3A_157, %swap3A_158] {strides = array<i32>} : memref<224x128xf32, #tpu.memory_space<vmem>>, vector<1x16xf32>,
      %swap3A_160 = vector.shape_cast %swap3A_159 : vector<1x16xf32> to vector<16xf32>
      %swap3A_161 = vector.shape_cast %get3A_77 : vector<16xf32> to vector<1x16xf32>
      tpu.vector_store %arg9[%swap3A_157, %swap3A_158], %swap3A_161 {strides = array<i32>} : memref<224x128xf32, #tpu.memory_space<vmem>>, vector<1x16xf32>,
      %swap3A_162 = arith.index_cast %scan3A_147 : i32 to index
      %swap3A_163 = arith.constant 48 : index
      %swap3A_164 = tpu.vector_load %arg9[%swap3A_162, %swap3A_163] {strides = array<i32>} : memref<224x128xf32, #tpu.memory_space<vmem>>, vector<1x16xf32>,
      %swap3A_165 = vector.shape_cast %swap3A_164 : vector<1x16xf32> to vector<16xf32>
      %swap3A_166 = vector.shape_cast %get3A_81 : vector<16xf32> to vector<1x16xf32>
      tpu.vector_store %arg9[%swap3A_162, %swap3A_163], %swap3A_166 {strides = array<i32>} : memref<224x128xf32, #tpu.memory_space<vmem>>, vector<1x16xf32>,
      %swap3A_167 = arith.index_cast %scan3A_147 : i32 to index
      %swap3A_168 = arith.constant 64 : index
      %swap3A_169 = tpu.vector_load %arg9[%swap3A_167, %swap3A_168] {strides = array<i32>} : memref<224x128xf32, #tpu.memory_space<vmem>>, vector<1x16xf32>,
      %swap3A_170 = vector.shape_cast %swap3A_169 : vector<1x16xf32> to vector<16xf32>
      %swap3A_171 = vector.shape_cast %get3A_85 : vector<16xf32> to vector<1x16xf32>
      tpu.vector_store %arg9[%swap3A_167, %swap3A_168], %swap3A_171 {strides = array<i32>} : memref<224x128xf32, #tpu.memory_space<vmem>>, vector<1x16xf32>,
      %swap3A_172 = arith.index_cast %scan3A_147 : i32 to index
      %swap3A_173 = arith.constant 80 : index
      %swap3A_174 = tpu.vector_load %arg9[%swap3A_172, %swap3A_173] {strides = array<i32>} : memref<224x128xf32, #tpu.memory_space<vmem>>, vector<1x16xf32>,
      %swap3A_175 = vector.shape_cast %swap3A_174 : vector<1x16xf32> to vector<16xf32>
      %swap3A_176 = vector.shape_cast %get3A_89 : vector<16xf32> to vector<1x16xf32>
      tpu.vector_store %arg9[%swap3A_172, %swap3A_173], %swap3A_176 {strides = array<i32>} : memref<224x128xf32, #tpu.memory_space<vmem>>, vector<1x16xf32>,
      %swap3A_177 = arith.index_cast %scan3A_147 : i32 to index
      %swap3A_178 = arith.constant 96 : index
      %swap3A_179 = tpu.vector_load %arg9[%swap3A_177, %swap3A_178] {strides = array<i32>} : memref<224x128xf32, #tpu.memory_space<vmem>>, vector<1x16xf32>,
      %swap3A_180 = vector.shape_cast %swap3A_179 : vector<1x16xf32> to vector<16xf32>
      %swap3A_181 = vector.shape_cast %get3A_93 : vector<16xf32> to vector<1x16xf32>
      tpu.vector_store %arg9[%swap3A_177, %swap3A_178], %swap3A_181 {strides = array<i32>} : memref<224x128xf32, #tpu.memory_space<vmem>>, vector<1x16xf32>,
      %swap3A_182 = arith.index_cast %scan3A_147 : i32 to index
      %swap3A_183 = arith.constant 112 : index
      %swap3A_184 = tpu.vector_load %arg9[%swap3A_182, %swap3A_183] {strides = array<i32>} : memref<224x128xf32, #tpu.memory_space<vmem>>, vector<1x16xf32>,
      %swap3A_185 = vector.shape_cast %swap3A_184 : vector<1x16xf32> to vector<16xf32>
      %swap3A_186 = vector.shape_cast %get3A_97 : vector<16xf32> to vector<1x16xf32>
      tpu.vector_store %arg9[%swap3A_182, %swap3A_183], %swap3A_186 {strides = array<i32>} : memref<224x128xf32, #tpu.memory_space<vmem>>, vector<1x16xf32>,
    }
    %scan3A_102 = arith.constant 224 : i32
    %scan3A_103 = arith.constant 0 : i32
    %scan3A_104 = arith.constant 0 : i32
    %scan3A_105 = arith.constant 28 : i32
    %scan3A_106 = arith.addi %scan3A_104, %scan3A_105 : i32
    %scan3A_107 = arith.constant 1 : i32
    scf.for %scan3A_147 = %scan3A_104 to %scan3A_106 step %scan3A_107  : i32 {
      %add3A_148 = arith.addi %mul3A_32, %scan3A_147 : i32
      %dma_start3A_149 = arith.constant 0 : i32
      %dma_start3A_150 = arith.constant 128 : i32
      %dma_start3A_151 = tpu.memref_slice %arg5[%select_n3A, %add3A_148, %dma_start3A_149, %dma_start3A_150] : memref<4x224x224x384xf32, #tpu.memory_space<hbm>> -> memref<1x1x224x128xf32, #tpu.memory_space<hbm>>
      %dma_start3A_152 = tpu.memref_squeeze %dma_start3A_151 : memref<1x1x224x128xf32, #tpu.memory_space<hbm>> -> memref<224x128xf32, #tpu.memory_space<hbm>>
      %dma_start3A_153 = arith.constant 0 : i32
      %dma_start3A_154 = arith.constant 128 : i32
      %dma_start3A_155 = tpu.memref_slice %arg5[%select_n3A, %add3A_148, %dma_start3A_153, %dma_start3A_154] : memref<4x224x224x384xf32, #tpu.memory_space<hbm>> -> memref<1x1x224x128xf32, #tpu.memory_space<hbm>>
      %dma_start3A_156 = tpu.memref_squeeze %dma_start3A_155 : memref<1x1x224x128xf32, #tpu.memory_space<hbm>> -> memref<224x128xf32, #tpu.memory_space<hbm>>
      tpu.enqueue_dma source(%arg8 : memref<224x128xf32, #tpu.memory_space<vmem>>) target(%dma_start3A_156 : memref<224x128xf32, #tpu.memory_space<hbm>>) target_semaphore(%arg14 : memref<!tpu.dma_semaphore, #tpu.memory_space<semaphore_mem>>)
      %dma_start3A_157 = arith.constant 0 : i32
      %dma_start3A_158 = arith.constant 256 : i32
      %dma_start3A_159 = tpu.memref_slice %arg5[%select_n3A, %add3A_148, %dma_start3A_157, %dma_start3A_158] : memref<4x224x224x384xf32, #tpu.memory_space<hbm>> -> memref<1x1x224x128xf32, #tpu.memory_space<hbm>>
      %dma_start3A_160 = tpu.memref_squeeze %dma_start3A_159 : memref<1x1x224x128xf32, #tpu.memory_space<hbm>> -> memref<224x128xf32, #tpu.memory_space<hbm>>
      %dma_start3A_161 = arith.constant 0 : i32
      %dma_start3A_162 = arith.constant 256 : i32
      %dma_start3A_163 = tpu.memref_slice %arg5[%select_n3A, %add3A_148, %dma_start3A_161, %dma_start3A_162] : memref<4x224x224x384xf32, #tpu.memory_space<hbm>> -> memref<1x1x224x128xf32, #tpu.memory_space<hbm>>
      %dma_start3A_164 = tpu.memref_squeeze %dma_start3A_163 : memref<1x1x224x128xf32, #tpu.memory_space<hbm>> -> memref<224x128xf32, #tpu.memory_space<hbm>>
      tpu.enqueue_dma source(%arg9 : memref<224x128xf32, #tpu.memory_space<vmem>>) target(%dma_start3A_164 : memref<224x128xf32, #tpu.memory_space<hbm>>) target_semaphore(%arg14 : memref<!tpu.dma_semaphore, #tpu.memory_space<semaphore_mem>>)
      %jit3A_165 = arith.constant 2 : i32
      %eq3A_166 = arith.constant 0 : i32
      %eq3A_167 = arith.cmpi eq, %jit3A_165, %eq3A_166 : i32
      %jit3A_168 = arith.constant 1 : i32
      %select_n3A_169 = arith.select %eq3A_167, %jit3A_168, %jit3A_165 : i32
      %rem3A_170 = arith.remsi %scan3A_147, %select_n3A_169 : i32
      %ne3A_171 = arith.constant 0 : i32
      %ne3A_172 = arith.cmpi ne, %rem3A_170, %ne3A_171 : i32
      %lt3A_173 = arith.constant 0 : i32
      %lt3A_174 = arith.cmpi slt, %rem3A_170, %lt3A_173 : i32
      %lt3A_175 = arith.constant 0 : i32
      %lt3A_176 = arith.cmpi slt, %select_n3A_169, %lt3A_175 : i32
      %ne3A_177 = arith.xori %lt3A_174, %lt3A_176 : i1
      %and3A_178 = arith.andi %ne3A_177, %ne3A_172 : i1
      %add3A_179 = arith.addi %rem3A_170, %select_n3A_169 : i32
      %select_n3A_180 = arith.select %and3A_178, %add3A_179, %rem3A_170 : i32
      %eq3A_181 = arith.constant 0 : i32
      %eq3A_182 = arith.cmpi eq, %select_n3A_180, %eq3A_181 : i32
      %convert_element_type3A = arith.extui %eq3A_182 : i1 to i32
      %cond3A = arith.constant 0 : i32
      %cond3A_183 = arith.cmpi ne, %convert_element_type3A, %cond3A : i32
      scf.if %cond3A_183 {
        %ge3A = arith.constant 2 : i32
        %ge3A_205 = arith.cmpi sge, %scan3A_147, %ge3A : i32
        %convert_element_type3A_206 = arith.extui %ge3A_205 : i1 to i32
        %cond3A_207 = arith.constant 0 : i32
        %cond3A_208 = arith.cmpi ne, %convert_element_type3A_206, %cond3A_207 : i32
        scf.if %cond3A_208 {
          %dma_wait3A_263 = arith.constant 0 : i32
          %dma_wait3A_264 = arith.constant 0 : i32
          %dma_wait3A_265 = tpu.memref_slice %arg5[%select_n3A, %mul3A_32, %dma_wait3A_263, %dma_wait3A_264] : memref<4x224x224x384xf32, #tpu.memory_space<hbm>> -> memref<1x1x112x128xf32, #tpu.memory_space<hbm>>
          %dma_wait3A_266 = tpu.memref_squeeze %dma_wait3A_265 : memref<1x1x112x128xf32, #tpu.memory_space<hbm>> -> memref<112x128xf32, #tpu.memory_space<hbm>>
          %dma_wait3A_267 = arith.constant 0 : i32
          %dma_wait3A_268 = arith.constant 0 : i32
          %dma_wait3A_269 = tpu.memref_slice %arg5[%select_n3A, %mul3A_32, %dma_wait3A_267, %dma_wait3A_268] : memref<4x224x224x384xf32, #tpu.memory_space<hbm>> -> memref<1x1x112x128xf32, #tpu.memory_space<hbm>>
          %dma_wait3A_270 = tpu.memref_squeeze %dma_wait3A_269 : memref<1x1x112x128xf32, #tpu.memory_space<hbm>> -> memref<112x128xf32, #tpu.memory_space<hbm>>
          tpu.wait_dma2 semaphore(%arg12 : memref<!tpu.dma_semaphore, #tpu.memory_space<semaphore_mem>>) src(%arg6 : memref<112x128xf32, #tpu.memory_space<vmem>>) dst(%dma_wait3A_270 : memref<112x128xf32, #tpu.memory_space<hbm>>)
          %dma_wait3A_271 = arith.constant 112 : i32
          %dma_wait3A_272 = arith.constant 0 : i32
          %dma_wait3A_273 = tpu.memref_slice %arg5[%select_n3A, %mul3A_32, %dma_wait3A_271, %dma_wait3A_272] : memref<4x224x224x384xf32, #tpu.memory_space<hbm>> -> memref<1x1x112x128xf32, #tpu.memory_space<hbm>>
          %dma_wait3A_274 = tpu.memref_squeeze %dma_wait3A_273 : memref<1x1x112x128xf32, #tpu.memory_space<hbm>> -> memref<112x128xf32, #tpu.memory_space<hbm>>
          %dma_wait3A_275 = arith.constant 112 : i32
          %dma_wait3A_276 = arith.constant 0 : i32
          %dma_wait3A_277 = tpu.memref_slice %arg5[%select_n3A, %mul3A_32, %dma_wait3A_275, %dma_wait3A_276] : memref<4x224x224x384xf32, #tpu.memory_space<hbm>> -> memref<1x1x112x128xf32, #tpu.memory_space<hbm>>
          %dma_wait3A_278 = tpu.memref_squeeze %dma_wait3A_277 : memref<1x1x112x128xf32, #tpu.memory_space<hbm>> -> memref<112x128xf32, #tpu.memory_space<hbm>>
          tpu.wait_dma2 semaphore(%arg12 : memref<!tpu.dma_semaphore, #tpu.memory_space<semaphore_mem>>) src(%arg6 : memref<112x128xf32, #tpu.memory_space<vmem>>) dst(%dma_wait3A_278 : memref<112x128xf32, #tpu.memory_space<hbm>>)
        } else {
        }
        %get3A_209 = arith.index_cast %add3A_148 : i32 to index
        %get3A_210 = arith.constant 0 : index
        %get3A_211 = tpu.vector_load %arg10[%get3A_209, %get3A_210] {strides = array<i32>} : memref<224x128xf32, #tpu.memory_space<vmem>>, vector<1x16xf32>,
        %get3A_212 = vector.shape_cast %get3A_211 : vector<1x16xf32> to vector<16xf32>
        %get3A_213 = arith.index_cast %add3A_148 : i32 to index
        %get3A_214 = arith.constant 16 : index
        %get3A_215 = tpu.vector_load %arg10[%get3A_213, %get3A_214] {strides = array<i32>} : memref<224x128xf32, #tpu.memory_space<vmem>>, vector<1x16xf32>,
        %get3A_216 = vector.shape_cast %get3A_215 : vector<1x16xf32> to vector<16xf32>
        %get3A_217 = arith.index_cast %add3A_148 : i32 to index
        %get3A_218 = arith.constant 32 : index
        %get3A_219 = tpu.vector_load %arg10[%get3A_217, %get3A_218] {strides = array<i32>} : memref<224x128xf32, #tpu.memory_space<vmem>>, vector<1x16xf32>,
        %get3A_220 = vector.shape_cast %get3A_219 : vector<1x16xf32> to vector<16xf32>
        %get3A_221 = arith.index_cast %add3A_148 : i32 to index
        %get3A_222 = arith.constant 48 : index
        %get3A_223 = tpu.vector_load %arg10[%get3A_221, %get3A_222] {strides = array<i32>} : memref<224x128xf32, #tpu.memory_space<vmem>>, vector<1x16xf32>,
        %get3A_224 = vector.shape_cast %get3A_223 : vector<1x16xf32> to vector<16xf32>
        %get3A_225 = arith.index_cast %add3A_148 : i32 to index
        %get3A_226 = arith.constant 64 : index
        %get3A_227 = tpu.vector_load %arg10[%get3A_225, %get3A_226] {strides = array<i32>} : memref<224x128xf32, #tpu.memory_space<vmem>>, vector<1x16xf32>,
        %get3A_228 = vector.shape_cast %get3A_227 : vector<1x16xf32> to vector<16xf32>
        %get3A_229 = arith.index_cast %add3A_148 : i32 to index
        %get3A_230 = arith.constant 80 : index
        %get3A_231 = tpu.vector_load %arg10[%get3A_229, %get3A_230] {strides = array<i32>} : memref<224x128xf32, #tpu.memory_space<vmem>>, vector<1x16xf32>,
        %get3A_232 = vector.shape_cast %get3A_231 : vector<1x16xf32> to vector<16xf32>
        %get3A_233 = arith.index_cast %add3A_148 : i32 to index
        %get3A_234 = arith.constant 96 : index
        %get3A_235 = tpu.vector_load %arg10[%get3A_233, %get3A_234] {strides = array<i32>} : memref<224x128xf32, #tpu.memory_space<vmem>>, vector<1x16xf32>,
        %get3A_236 = vector.shape_cast %get3A_235 : vector<1x16xf32> to vector<16xf32>
        %get3A_237 = arith.index_cast %add3A_148 : i32 to index
        %get3A_238 = arith.constant 112 : index
        %get3A_239 = tpu.vector_load %arg10[%get3A_237, %get3A_238] {strides = array<i32>} : memref<224x128xf32, #tpu.memory_space<vmem>>, vector<1x16xf32>,
        %get3A_240 = vector.shape_cast %get3A_239 : vector<1x16xf32> to vector<16xf32>
        %scan3A_241 = arith.constant 0 : i32
        %scan3A_242 = arith.constant 0 : i32
        %scan3A_243 = arith.constant 112 : i32
        %scan3A_244 = arith.addi %scan3A_242, %scan3A_243 : i32
        %scan3A_245 = arith.constant 1 : i32
        scf.for %scan3A_263 = %scan3A_242 to %scan3A_244 step %scan3A_245  : i32 {
          %swap3A = arith.index_cast %scan3A_263 : i32 to index
          %swap3A_264 = arith.constant 0 : index
          %swap3A_265 = tpu.vector_load %arg6[%swap3A, %swap3A_264] {strides = array<i32>} : memref<112x128xf32, #tpu.memory_space<vmem>>, vector<1x16xf32>,
          %swap3A_266 = vector.shape_cast %swap3A_265 : vector<1x16xf32> to vector<16xf32>
          %swap3A_267 = vector.shape_cast %get3A_212 : vector<16xf32> to vector<1x16xf32>
          tpu.vector_store %arg6[%swap3A, %swap3A_264], %swap3A_267 {strides = array<i32>} : memref<112x128xf32, #tpu.memory_space<vmem>>, vector<1x16xf32>,
          %swap3A_268 = arith.index_cast %scan3A_263 : i32 to index
          %swap3A_269 = arith.constant 16 : index
          %swap3A_270 = tpu.vector_load %arg6[%swap3A_268, %swap3A_269] {strides = array<i32>} : memref<112x128xf32, #tpu.memory_space<vmem>>, vector<1x16xf32>,
          %swap3A_271 = vector.shape_cast %swap3A_270 : vector<1x16xf32> to vector<16xf32>
          %swap3A_272 = vector.shape_cast %get3A_216 : vector<16xf32> to vector<1x16xf32>
          tpu.vector_store %arg6[%swap3A_268, %swap3A_269], %swap3A_272 {strides = array<i32>} : memref<112x128xf32, #tpu.memory_space<vmem>>, vector<1x16xf32>,
          %swap3A_273 = arith.index_cast %scan3A_263 : i32 to index
          %swap3A_274 = arith.constant 32 : index
          %swap3A_275 = tpu.vector_load %arg6[%swap3A_273, %swap3A_274] {strides = array<i32>} : memref<112x128xf32, #tpu.memory_space<vmem>>, vector<1x16xf32>,
          %swap3A_276 = vector.shape_cast %swap3A_275 : vector<1x16xf32> to vector<16xf32>
          %swap3A_277 = vector.shape_cast %get3A_220 : vector<16xf32> to vector<1x16xf32>
          tpu.vector_store %arg6[%swap3A_273, %swap3A_274], %swap3A_277 {strides = array<i32>} : memref<112x128xf32, #tpu.memory_space<vmem>>, vector<1x16xf32>,
          %swap3A_278 = arith.index_cast %scan3A_263 : i32 to index
          %swap3A_279 = arith.constant 48 : index
          %swap3A_280 = tpu.vector_load %arg6[%swap3A_278, %swap3A_279] {strides = array<i32>} : memref<112x128xf32, #tpu.memory_space<vmem>>, vector<1x16xf32>,
          %swap3A_281 = vector.shape_cast %swap3A_280 : vector<1x16xf32> to vector<16xf32>
          %swap3A_282 = vector.shape_cast %get3A_224 : vector<16xf32> to vector<1x16xf32>
          tpu.vector_store %arg6[%swap3A_278, %swap3A_279], %swap3A_282 {strides = array<i32>} : memref<112x128xf32, #tpu.memory_space<vmem>>, vector<1x16xf32>,
          %swap3A_283 = arith.index_cast %scan3A_263 : i32 to index
          %swap3A_284 = arith.constant 64 : index
          %swap3A_285 = tpu.vector_load %arg6[%swap3A_283, %swap3A_284] {strides = array<i32>} : memref<112x128xf32, #tpu.memory_space<vmem>>, vector<1x16xf32>,
          %swap3A_286 = vector.shape_cast %swap3A_285 : vector<1x16xf32> to vector<16xf32>
          %swap3A_287 = vector.shape_cast %get3A_228 : vector<16xf32> to vector<1x16xf32>
          tpu.vector_store %arg6[%swap3A_283, %swap3A_284], %swap3A_287 {strides = array<i32>} : memref<112x128xf32, #tpu.memory_space<vmem>>, vector<1x16xf32>,
          %swap3A_288 = arith.index_cast %scan3A_263 : i32 to index
          %swap3A_289 = arith.constant 80 : index
          %swap3A_290 = tpu.vector_load %arg6[%swap3A_288, %swap3A_289] {strides = array<i32>} : memref<112x128xf32, #tpu.memory_space<vmem>>, vector<1x16xf32>,
          %swap3A_291 = vector.shape_cast %swap3A_290 : vector<1x16xf32> to vector<16xf32>
          %swap3A_292 = vector.shape_cast %get3A_232 : vector<16xf32> to vector<1x16xf32>
          tpu.vector_store %arg6[%swap3A_288, %swap3A_289], %swap3A_292 {strides = array<i32>} : memref<112x128xf32, #tpu.memory_space<vmem>>, vector<1x16xf32>,
          %swap3A_293 = arith.index_cast %scan3A_263 : i32 to index
          %swap3A_294 = arith.constant 96 : index
          %swap3A_295 = tpu.vector_load %arg6[%swap3A_293, %swap3A_294] {strides = array<i32>} : memref<112x128xf32, #tpu.memory_space<vmem>>, vector<1x16xf32>,
          %swap3A_296 = vector.shape_cast %swap3A_295 : vector<1x16xf32> to vector<16xf32>
          %swap3A_297 = vector.shape_cast %get3A_236 : vector<16xf32> to vector<1x16xf32>
          tpu.vector_store %arg6[%swap3A_293, %swap3A_294], %swap3A_297 {strides = array<i32>} : memref<112x128xf32, #tpu.memory_space<vmem>>, vector<1x16xf32>,
          %swap3A_298 = arith.index_cast %scan3A_263 : i32 to index
          %swap3A_299 = arith.constant 112 : index
          %swap3A_300 = tpu.vector_load %arg6[%swap3A_298, %swap3A_299] {strides = array<i32>} : memref<112x128xf32, #tpu.memory_space<vmem>>, vector<1x16xf32>,
          %swap3A_301 = vector.shape_cast %swap3A_300 : vector<1x16xf32> to vector<16xf32>
          %swap3A_302 = vector.shape_cast %get3A_240 : vector<16xf32> to vector<1x16xf32>
          tpu.vector_store %arg6[%swap3A_298, %swap3A_299], %swap3A_302 {strides = array<i32>} : memref<112x128xf32, #tpu.memory_space<vmem>>, vector<1x16xf32>,
        }
        %scan3A_246 = arith.constant 112 : i32
        %dma_start3A_247 = arith.constant 0 : i32
        %dma_start3A_248 = arith.constant 0 : i32
        %dma_start3A_249 = tpu.memref_slice %arg5[%select_n3A, %add3A_148, %dma_start3A_247, %dma_start3A_248] : memref<4x224x224x384xf32, #tpu.memory_space<hbm>> -> memref<1x1x112x128xf32, #tpu.memory_space<hbm>>
        %dma_start3A_250 = tpu.memref_squeeze %dma_start3A_249 : memref<1x1x112x128xf32, #tpu.memory_space<hbm>> -> memref<112x128xf32, #tpu.memory_space<hbm>>
        %dma_start3A_251 = arith.constant 0 : i32
        %dma_start3A_252 = arith.constant 0 : i32
        %dma_start3A_253 = tpu.memref_slice %arg5[%select_n3A, %add3A_148, %dma_start3A_251, %dma_start3A_252] : memref<4x224x224x384xf32, #tpu.memory_space<hbm>> -> memref<1x1x112x128xf32, #tpu.memory_space<hbm>>
        %dma_start3A_254 = tpu.memref_squeeze %dma_start3A_253 : memref<1x1x112x128xf32, #tpu.memory_space<hbm>> -> memref<112x128xf32, #tpu.memory_space<hbm>>
        tpu.enqueue_dma source(%arg6 : memref<112x128xf32, #tpu.memory_space<vmem>>) target(%dma_start3A_254 : memref<112x128xf32, #tpu.memory_space<hbm>>) target_semaphore(%arg12 : memref<!tpu.dma_semaphore, #tpu.memory_space<semaphore_mem>>)
        %dma_start3A_255 = arith.constant 112 : i32
        %dma_start3A_256 = arith.constant 0 : i32
        %dma_start3A_257 = tpu.memref_slice %arg5[%select_n3A, %add3A_148, %dma_start3A_255, %dma_start3A_256] : memref<4x224x224x384xf32, #tpu.memory_space<hbm>> -> memref<1x1x112x128xf32, #tpu.memory_space<hbm>>
        %dma_start3A_258 = tpu.memref_squeeze %dma_start3A_257 : memref<1x1x112x128xf32, #tpu.memory_space<hbm>> -> memref<112x128xf32, #tpu.memory_space<hbm>>
        %dma_start3A_259 = arith.constant 112 : i32
        %dma_start3A_260 = arith.constant 0 : i32
        %dma_start3A_261 = tpu.memref_slice %arg5[%select_n3A, %add3A_148, %dma_start3A_259, %dma_start3A_260] : memref<4x224x224x384xf32, #tpu.memory_space<hbm>> -> memref<1x1x112x128xf32, #tpu.memory_space<hbm>>
        %dma_start3A_262 = tpu.memref_squeeze %dma_start3A_261 : memref<1x1x112x128xf32, #tpu.memory_space<hbm>> -> memref<112x128xf32, #tpu.memory_space<hbm>>
        tpu.enqueue_dma source(%arg6 : memref<112x128xf32, #tpu.memory_space<vmem>>) target(%dma_start3A_262 : memref<112x128xf32, #tpu.memory_space<hbm>>) target_semaphore(%arg12 : memref<!tpu.dma_semaphore, #tpu.memory_space<semaphore_mem>>)
      } else {
      }
      %jit3A_184 = arith.constant 2 : i32
      %eq3A_185 = arith.constant 0 : i32
      %eq3A_186 = arith.cmpi eq, %jit3A_184, %eq3A_185 : i32
      %jit3A_187 = arith.constant 1 : i32
      %select_n3A_188 = arith.select %eq3A_186, %jit3A_187, %jit3A_184 : i32
      %rem3A_189 = arith.remsi %scan3A_147, %select_n3A_188 : i32
      %ne3A_190 = arith.constant 0 : i32
      %ne3A_191 = arith.cmpi ne, %rem3A_189, %ne3A_190 : i32
      %lt3A_192 = arith.constant 0 : i32
      %lt3A_193 = arith.cmpi slt, %rem3A_189, %lt3A_192 : i32
      %lt3A_194 = arith.constant 0 : i32
      %lt3A_195 = arith.cmpi slt, %select_n3A_188, %lt3A_194 : i32
      %ne3A_196 = arith.xori %lt3A_193, %lt3A_195 : i1
      %and3A_197 = arith.andi %ne3A_196, %ne3A_191 : i1
      %add3A_198 = arith.addi %rem3A_189, %select_n3A_188 : i32
      %select_n3A_199 = arith.select %and3A_197, %add3A_198, %rem3A_189 : i32
      %eq3A_200 = arith.constant 1 : i32
      %eq3A_201 = arith.cmpi eq, %select_n3A_199, %eq3A_200 : i32
      %convert_element_type3A_202 = arith.extui %eq3A_201 : i1 to i32
      %cond3A_203 = arith.constant 0 : i32
      %cond3A_204 = arith.cmpi ne, %convert_element_type3A_202, %cond3A_203 : i32
      scf.if %cond3A_204 {
        %ge3A = arith.constant 3 : i32
        %ge3A_205 = arith.cmpi sge, %scan3A_147, %ge3A : i32
        %convert_element_type3A_206 = arith.extui %ge3A_205 : i1 to i32
        %cond3A_207 = arith.constant 0 : i32
        %cond3A_208 = arith.cmpi ne, %convert_element_type3A_206, %cond3A_207 : i32
        scf.if %cond3A_208 {
          %dma_wait3A_263 = arith.constant 0 : i32
          %dma_wait3A_264 = arith.constant 0 : i32
          %dma_wait3A_265 = tpu.memref_slice %arg5[%select_n3A, %mul3A_32, %dma_wait3A_263, %dma_wait3A_264] : memref<4x224x224x384xf32, #tpu.memory_space<hbm>> -> memref<1x1x112x128xf32, #tpu.memory_space<hbm>>
          %dma_wait3A_266 = tpu.memref_squeeze %dma_wait3A_265 : memref<1x1x112x128xf32, #tpu.memory_space<hbm>> -> memref<112x128xf32, #tpu.memory_space<hbm>>
          %dma_wait3A_267 = arith.constant 0 : i32
          %dma_wait3A_268 = arith.constant 0 : i32
          %dma_wait3A_269 = tpu.memref_slice %arg5[%select_n3A, %mul3A_32, %dma_wait3A_267, %dma_wait3A_268] : memref<4x224x224x384xf32, #tpu.memory_space<hbm>> -> memref<1x1x112x128xf32, #tpu.memory_space<hbm>>
          %dma_wait3A_270 = tpu.memref_squeeze %dma_wait3A_269 : memref<1x1x112x128xf32, #tpu.memory_space<hbm>> -> memref<112x128xf32, #tpu.memory_space<hbm>>
          tpu.wait_dma2 semaphore(%arg13 : memref<!tpu.dma_semaphore, #tpu.memory_space<semaphore_mem>>) src(%arg7 : memref<112x128xf32, #tpu.memory_space<vmem>>) dst(%dma_wait3A_270 : memref<112x128xf32, #tpu.memory_space<hbm>>)
          %dma_wait3A_271 = arith.constant 112 : i32
          %dma_wait3A_272 = arith.constant 0 : i32
          %dma_wait3A_273 = tpu.memref_slice %arg5[%select_n3A, %mul3A_32, %dma_wait3A_271, %dma_wait3A_272] : memref<4x224x224x384xf32, #tpu.memory_space<hbm>> -> memref<1x1x112x128xf32, #tpu.memory_space<hbm>>
          %dma_wait3A_274 = tpu.memref_squeeze %dma_wait3A_273 : memref<1x1x112x128xf32, #tpu.memory_space<hbm>> -> memref<112x128xf32, #tpu.memory_space<hbm>>
          %dma_wait3A_275 = arith.constant 112 : i32
          %dma_wait3A_276 = arith.constant 0 : i32
          %dma_wait3A_277 = tpu.memref_slice %arg5[%select_n3A, %mul3A_32, %dma_wait3A_275, %dma_wait3A_276] : memref<4x224x224x384xf32, #tpu.memory_space<hbm>> -> memref<1x1x112x128xf32, #tpu.memory_space<hbm>>
          %dma_wait3A_278 = tpu.memref_squeeze %dma_wait3A_277 : memref<1x1x112x128xf32, #tpu.memory_space<hbm>> -> memref<112x128xf32, #tpu.memory_space<hbm>>
          tpu.wait_dma2 semaphore(%arg13 : memref<!tpu.dma_semaphore, #tpu.memory_space<semaphore_mem>>) src(%arg7 : memref<112x128xf32, #tpu.memory_space<vmem>>) dst(%dma_wait3A_278 : memref<112x128xf32, #tpu.memory_space<hbm>>)
        } else {
        }
        %get3A_209 = arith.index_cast %add3A_148 : i32 to index
        %get3A_210 = arith.constant 0 : index
        %get3A_211 = tpu.vector_load %arg10[%get3A_209, %get3A_210] {strides = array<i32>} : memref<224x128xf32, #tpu.memory_space<vmem>>, vector<1x16xf32>,
        %get3A_212 = vector.shape_cast %get3A_211 : vector<1x16xf32> to vector<16xf32>
        %get3A_213 = arith.index_cast %add3A_148 : i32 to index
        %get3A_214 = arith.constant 16 : index
        %get3A_215 = tpu.vector_load %arg10[%get3A_213, %get3A_214] {strides = array<i32>} : memref<224x128xf32, #tpu.memory_space<vmem>>, vector<1x16xf32>,
        %get3A_216 = vector.shape_cast %get3A_215 : vector<1x16xf32> to vector<16xf32>
        %get3A_217 = arith.index_cast %add3A_148 : i32 to index
        %get3A_218 = arith.constant 32 : index
        %get3A_219 = tpu.vector_load %arg10[%get3A_217, %get3A_218] {strides = array<i32>} : memref<224x128xf32, #tpu.memory_space<vmem>>, vector<1x16xf32>,
        %get3A_220 = vector.shape_cast %get3A_219 : vector<1x16xf32> to vector<16xf32>
        %get3A_221 = arith.index_cast %add3A_148 : i32 to index
        %get3A_222 = arith.constant 48 : index
        %get3A_223 = tpu.vector_load %arg10[%get3A_221, %get3A_222] {strides = array<i32>} : memref<224x128xf32, #tpu.memory_space<vmem>>, vector<1x16xf32>,
        %get3A_224 = vector.shape_cast %get3A_223 : vector<1x16xf32> to vector<16xf32>
        %get3A_225 = arith.index_cast %add3A_148 : i32 to index
        %get3A_226 = arith.constant 64 : index
        %get3A_227 = tpu.vector_load %arg10[%get3A_225, %get3A_226] {strides = array<i32>} : memref<224x128xf32, #tpu.memory_space<vmem>>, vector<1x16xf32>,
        %get3A_228 = vector.shape_cast %get3A_227 : vector<1x16xf32> to vector<16xf32>
        %get3A_229 = arith.index_cast %add3A_148 : i32 to index
        %get3A_230 = arith.constant 80 : index
        %get3A_231 = tpu.vector_load %arg10[%get3A_229, %get3A_230] {strides = array<i32>} : memref<224x128xf32, #tpu.memory_space<vmem>>, vector<1x16xf32>,
        %get3A_232 = vector.shape_cast %get3A_231 : vector<1x16xf32> to vector<16xf32>
        %get3A_233 = arith.index_cast %add3A_148 : i32 to index
        %get3A_234 = arith.constant 96 : index
        %get3A_235 = tpu.vector_load %arg10[%get3A_233, %get3A_234] {strides = array<i32>} : memref<224x128xf32, #tpu.memory_space<vmem>>, vector<1x16xf32>,
        %get3A_236 = vector.shape_cast %get3A_235 : vector<1x16xf32> to vector<16xf32>
        %get3A_237 = arith.index_cast %add3A_148 : i32 to index
        %get3A_238 = arith.constant 112 : index
        %get3A_239 = tpu.vector_load %arg10[%get3A_237, %get3A_238] {strides = array<i32>} : memref<224x128xf32, #tpu.memory_space<vmem>>, vector<1x16xf32>,
        %get3A_240 = vector.shape_cast %get3A_239 : vector<1x16xf32> to vector<16xf32>
        %scan3A_241 = arith.constant 0 : i32
        %scan3A_242 = arith.constant 0 : i32
        %scan3A_243 = arith.constant 112 : i32
        %scan3A_244 = arith.addi %scan3A_242, %scan3A_243 : i32
        %scan3A_245 = arith.constant 1 : i32
        scf.for %scan3A_263 = %scan3A_242 to %scan3A_244 step %scan3A_245  : i32 {
          %swap3A = arith.index_cast %scan3A_263 : i32 to index
          %swap3A_264 = arith.constant 0 : index
          %swap3A_265 = tpu.vector_load %arg7[%swap3A, %swap3A_264] {strides = array<i32>} : memref<112x128xf32, #tpu.memory_space<vmem>>, vector<1x16xf32>,
          %swap3A_266 = vector.shape_cast %swap3A_265 : vector<1x16xf32> to vector<16xf32>
          %swap3A_267 = vector.shape_cast %get3A_212 : vector<16xf32> to vector<1x16xf32>
          tpu.vector_store %arg7[%swap3A, %swap3A_264], %swap3A_267 {strides = array<i32>} : memref<112x128xf32, #tpu.memory_space<vmem>>, vector<1x16xf32>,
          %swap3A_268 = arith.index_cast %scan3A_263 : i32 to index
          %swap3A_269 = arith.constant 16 : index
          %swap3A_270 = tpu.vector_load %arg7[%swap3A_268, %swap3A_269] {strides = array<i32>} : memref<112x128xf32, #tpu.memory_space<vmem>>, vector<1x16xf32>,
          %swap3A_271 = vector.shape_cast %swap3A_270 : vector<1x16xf32> to vector<16xf32>
          %swap3A_272 = vector.shape_cast %get3A_216 : vector<16xf32> to vector<1x16xf32>
          tpu.vector_store %arg7[%swap3A_268, %swap3A_269], %swap3A_272 {strides = array<i32>} : memref<112x128xf32, #tpu.memory_space<vmem>>, vector<1x16xf32>,
          %swap3A_273 = arith.index_cast %scan3A_263 : i32 to index
          %swap3A_274 = arith.constant 32 : index
          %swap3A_275 = tpu.vector_load %arg7[%swap3A_273, %swap3A_274] {strides = array<i32>} : memref<112x128xf32, #tpu.memory_space<vmem>>, vector<1x16xf32>,
          %swap3A_276 = vector.shape_cast %swap3A_275 : vector<1x16xf32> to vector<16xf32>
          %swap3A_277 = vector.shape_cast %get3A_220 : vector<16xf32> to vector<1x16xf32>
          tpu.vector_store %arg7[%swap3A_273, %swap3A_274], %swap3A_277 {strides = array<i32>} : memref<112x128xf32, #tpu.memory_space<vmem>>, vector<1x16xf32>,
          %swap3A_278 = arith.index_cast %scan3A_263 : i32 to index
          %swap3A_279 = arith.constant 48 : index
          %swap3A_280 = tpu.vector_load %arg7[%swap3A_278, %swap3A_279] {strides = array<i32>} : memref<112x128xf32, #tpu.memory_space<vmem>>, vector<1x16xf32>,
          %swap3A_281 = vector.shape_cast %swap3A_280 : vector<1x16xf32> to vector<16xf32>
          %swap3A_282 = vector.shape_cast %get3A_224 : vector<16xf32> to vector<1x16xf32>
          tpu.vector_store %arg7[%swap3A_278, %swap3A_279], %swap3A_282 {strides = array<i32>} : memref<112x128xf32, #tpu.memory_space<vmem>>, vector<1x16xf32>,
          %swap3A_283 = arith.index_cast %scan3A_263 : i32 to index
          %swap3A_284 = arith.constant 64 : index
          %swap3A_285 = tpu.vector_load %arg7[%swap3A_283, %swap3A_284] {strides = array<i32>} : memref<112x128xf32, #tpu.memory_space<vmem>>, vector<1x16xf32>,
          %swap3A_286 = vector.shape_cast %swap3A_285 : vector<1x16xf32> to vector<16xf32>
          %swap3A_287 = vector.shape_cast %get3A_228 : vector<16xf32> to vector<1x16xf32>
          tpu.vector_store %arg7[%swap3A_283, %swap3A_284], %swap3A_287 {strides = array<i32>} : memref<112x128xf32, #tpu.memory_space<vmem>>, vector<1x16xf32>,
          %swap3A_288 = arith.index_cast %scan3A_263 : i32 to index
          %swap3A_289 = arith.constant 80 : index
          %swap3A_290 = tpu.vector_load %arg7[%swap3A_288, %swap3A_289] {strides = array<i32>} : memref<112x128xf32, #tpu.memory_space<vmem>>, vector<1x16xf32>,
          %swap3A_291 = vector.shape_cast %swap3A_290 : vector<1x16xf32> to vector<16xf32>
          %swap3A_292 = vector.shape_cast %get3A_232 : vector<16xf32> to vector<1x16xf32>
          tpu.vector_store %arg7[%swap3A_288, %swap3A_289], %swap3A_292 {strides = array<i32>} : memref<112x128xf32, #tpu.memory_space<vmem>>, vector<1x16xf32>,
          %swap3A_293 = arith.index_cast %scan3A_263 : i32 to index
          %swap3A_294 = arith.constant 96 : index
          %swap3A_295 = tpu.vector_load %arg7[%swap3A_293, %swap3A_294] {strides = array<i32>} : memref<112x128xf32, #tpu.memory_space<vmem>>, vector<1x16xf32>,
          %swap3A_296 = vector.shape_cast %swap3A_295 : vector<1x16xf32> to vector<16xf32>
          %swap3A_297 = vector.shape_cast %get3A_236 : vector<16xf32> to vector<1x16xf32>
          tpu.vector_store %arg7[%swap3A_293, %swap3A_294], %swap3A_297 {strides = array<i32>} : memref<112x128xf32, #tpu.memory_space<vmem>>, vector<1x16xf32>,
          %swap3A_298 = arith.index_cast %scan3A_263 : i32 to index
          %swap3A_299 = arith.constant 112 : index
          %swap3A_300 = tpu.vector_load %arg7[%swap3A_298, %swap3A_299] {strides = array<i32>} : memref<112x128xf32, #tpu.memory_space<vmem>>, vector<1x16xf32>,
          %swap3A_301 = vector.shape_cast %swap3A_300 : vector<1x16xf32> to vector<16xf32>
          %swap3A_302 = vector.shape_cast %get3A_240 : vector<16xf32> to vector<1x16xf32>
          tpu.vector_store %arg7[%swap3A_298, %swap3A_299], %swap3A_302 {strides = array<i32>} : memref<112x128xf32, #tpu.memory_space<vmem>>, vector<1x16xf32>,
        }
        %scan3A_246 = arith.constant 112 : i32
        %dma_start3A_247 = arith.constant 0 : i32
        %dma_start3A_248 = arith.constant 0 : i32
        %dma_start3A_249 = tpu.memref_slice %arg5[%select_n3A, %add3A_148, %dma_start3A_247, %dma_start3A_248] : memref<4x224x224x384xf32, #tpu.memory_space<hbm>> -> memref<1x1x112x128xf32, #tpu.memory_space<hbm>>
        %dma_start3A_250 = tpu.memref_squeeze %dma_start3A_249 : memref<1x1x112x128xf32, #tpu.memory_space<hbm>> -> memref<112x128xf32, #tpu.memory_space<hbm>>
        %dma_start3A_251 = arith.constant 0 : i32
        %dma_start3A_252 = arith.constant 0 : i32
        %dma_start3A_253 = tpu.memref_slice %arg5[%select_n3A, %add3A_148, %dma_start3A_251, %dma_start3A_252] : memref<4x224x224x384xf32, #tpu.memory_space<hbm>> -> memref<1x1x112x128xf32, #tpu.memory_space<hbm>>
        %dma_start3A_254 = tpu.memref_squeeze %dma_start3A_253 : memref<1x1x112x128xf32, #tpu.memory_space<hbm>> -> memref<112x128xf32, #tpu.memory_space<hbm>>
        tpu.enqueue_dma source(%arg7 : memref<112x128xf32, #tpu.memory_space<vmem>>) target(%dma_start3A_254 : memref<112x128xf32, #tpu.memory_space<hbm>>) target_semaphore(%arg13 : memref<!tpu.dma_semaphore, #tpu.memory_space<semaphore_mem>>)
        %dma_start3A_255 = arith.constant 112 : i32
        %dma_start3A_256 = arith.constant 0 : i32
        %dma_start3A_257 = tpu.memref_slice %arg5[%select_n3A, %add3A_148, %dma_start3A_255, %dma_start3A_256] : memref<4x224x224x384xf32, #tpu.memory_space<hbm>> -> memref<1x1x112x128xf32, #tpu.memory_space<hbm>>
        %dma_start3A_258 = tpu.memref_squeeze %dma_start3A_257 : memref<1x1x112x128xf32, #tpu.memory_space<hbm>> -> memref<112x128xf32, #tpu.memory_space<hbm>>
        %dma_start3A_259 = arith.constant 112 : i32
        %dma_start3A_260 = arith.constant 0 : i32
        %dma_start3A_261 = tpu.memref_slice %arg5[%select_n3A, %add3A_148, %dma_start3A_259, %dma_start3A_260] : memref<4x224x224x384xf32, #tpu.memory_space<hbm>> -> memref<1x1x112x128xf32, #tpu.memory_space<hbm>>
        %dma_start3A_262 = tpu.memref_squeeze %dma_start3A_261 : memref<1x1x112x128xf32, #tpu.memory_space<hbm>> -> memref<112x128xf32, #tpu.memory_space<hbm>>
        tpu.enqueue_dma source(%arg7 : memref<112x128xf32, #tpu.memory_space<vmem>>) target(%dma_start3A_262 : memref<112x128xf32, #tpu.memory_space<hbm>>) target_semaphore(%arg13 : memref<!tpu.dma_semaphore, #tpu.memory_space<semaphore_mem>>)
      } else {
      }
    }
    %scan3A_108 = arith.constant 28 : i32
    %dma_wait3A_109 = arith.constant 0 : i32
    %dma_wait3A_110 = arith.constant 0 : i32
    %dma_wait3A_111 = tpu.memref_slice %arg5[%select_n3A, %mul3A_32, %dma_wait3A_109, %dma_wait3A_110] : memref<4x224x224x384xf32, #tpu.memory_space<hbm>> -> memref<1x1x112x128xf32, #tpu.memory_space<hbm>>
    %dma_wait3A_112 = tpu.memref_squeeze %dma_wait3A_111 : memref<1x1x112x128xf32, #tpu.memory_space<hbm>> -> memref<112x128xf32, #tpu.memory_space<hbm>>
    %dma_wait3A_113 = arith.constant 0 : i32
    %dma_wait3A_114 = arith.constant 0 : i32
    %dma_wait3A_115 = tpu.memref_slice %arg5[%select_n3A, %mul3A_32, %dma_wait3A_113, %dma_wait3A_114] : memref<4x224x224x384xf32, #tpu.memory_space<hbm>> -> memref<1x1x112x128xf32, #tpu.memory_space<hbm>>
    %dma_wait3A_116 = tpu.memref_squeeze %dma_wait3A_115 : memref<1x1x112x128xf32, #tpu.memory_space<hbm>> -> memref<112x128xf32, #tpu.memory_space<hbm>>
    tpu.wait_dma2 semaphore(%arg12 : memref<!tpu.dma_semaphore, #tpu.memory_space<semaphore_mem>>) src(%arg6 : memref<112x128xf32, #tpu.memory_space<vmem>>) dst(%dma_wait3A_116 : memref<112x128xf32, #tpu.memory_space<hbm>>)
    %dma_wait3A_117 = arith.constant 112 : i32
    %dma_wait3A_118 = arith.constant 0 : i32
    %dma_wait3A_119 = tpu.memref_slice %arg5[%select_n3A, %mul3A_32, %dma_wait3A_117, %dma_wait3A_118] : memref<4x224x224x384xf32, #tpu.memory_space<hbm>> -> memref<1x1x112x128xf32, #tpu.memory_space<hbm>>
    %dma_wait3A_120 = tpu.memref_squeeze %dma_wait3A_119 : memref<1x1x112x128xf32, #tpu.memory_space<hbm>> -> memref<112x128xf32, #tpu.memory_space<hbm>>
    %dma_wait3A_121 = arith.constant 112 : i32
    %dma_wait3A_122 = arith.constant 0 : i32
    %dma_wait3A_123 = tpu.memref_slice %arg5[%select_n3A, %mul3A_32, %dma_wait3A_121, %dma_wait3A_122] : memref<4x224x224x384xf32, #tpu.memory_space<hbm>> -> memref<1x1x112x128xf32, #tpu.memory_space<hbm>>
    %dma_wait3A_124 = tpu.memref_squeeze %dma_wait3A_123 : memref<1x1x112x128xf32, #tpu.memory_space<hbm>> -> memref<112x128xf32, #tpu.memory_space<hbm>>
    tpu.wait_dma2 semaphore(%arg12 : memref<!tpu.dma_semaphore, #tpu.memory_space<semaphore_mem>>) src(%arg6 : memref<112x128xf32, #tpu.memory_space<vmem>>) dst(%dma_wait3A_124 : memref<112x128xf32, #tpu.memory_space<hbm>>)
    %dma_wait3A_125 = arith.constant 0 : i32
    %dma_wait3A_126 = arith.constant 0 : i32
    %dma_wait3A_127 = tpu.memref_slice %arg5[%select_n3A, %mul3A_32, %dma_wait3A_125, %dma_wait3A_126] : memref<4x224x224x384xf32, #tpu.memory_space<hbm>> -> memref<1x1x112x128xf32, #tpu.memory_space<hbm>>
    %dma_wait3A_128 = tpu.memref_squeeze %dma_wait3A_127 : memref<1x1x112x128xf32, #tpu.memory_space<hbm>> -> memref<112x128xf32, #tpu.memory_space<hbm>>
    %dma_wait3A_129 = arith.constant 0 : i32
    %dma_wait3A_130 = arith.constant 0 : i32
    %dma_wait3A_131 = tpu.memref_slice %arg5[%select_n3A, %mul3A_32, %dma_wait3A_129, %dma_wait3A_130] : memref<4x224x224x384xf32, #tpu.memory_space<hbm>> -> memref<1x1x112x128xf32, #tpu.memory_space<hbm>>
    %dma_wait3A_132 = tpu.memref_squeeze %dma_wait3A_131 : memref<1x1x112x128xf32, #tpu.memory_space<hbm>> -> memref<112x128xf32, #tpu.memory_space<hbm>>
    tpu.wait_dma2 semaphore(%arg13 : memref<!tpu.dma_semaphore, #tpu.memory_space<semaphore_mem>>) src(%arg7 : memref<112x128xf32, #tpu.memory_space<vmem>>) dst(%dma_wait3A_132 : memref<112x128xf32, #tpu.memory_space<hbm>>)
    %dma_wait3A_133 = arith.constant 112 : i32
    %dma_wait3A_134 = arith.constant 0 : i32
    %dma_wait3A_135 = tpu.memref_slice %arg5[%select_n3A, %mul3A_32, %dma_wait3A_133, %dma_wait3A_134] : memref<4x224x224x384xf32, #tpu.memory_space<hbm>> -> memref<1x1x112x128xf32, #tpu.memory_space<hbm>>
    %dma_wait3A_136 = tpu.memref_squeeze %dma_wait3A_135 : memref<1x1x112x128xf32, #tpu.memory_space<hbm>> -> memref<112x128xf32, #tpu.memory_space<hbm>>
    %dma_wait3A_137 = arith.constant 112 : i32
    %dma_wait3A_138 = arith.constant 0 : i32
    %dma_wait3A_139 = tpu.memref_slice %arg5[%select_n3A, %mul3A_32, %dma_wait3A_137, %dma_wait3A_138] : memref<4x224x224x384xf32, #tpu.memory_space<hbm>> -> memref<1x1x112x128xf32, #tpu.memory_space<hbm>>
    %dma_wait3A_140 = tpu.memref_squeeze %dma_wait3A_139 : memref<1x1x112x128xf32, #tpu.memory_space<hbm>> -> memref<112x128xf32, #tpu.memory_space<hbm>>
    tpu.wait_dma2 semaphore(%arg13 : memref<!tpu.dma_semaphore, #tpu.memory_space<semaphore_mem>>) src(%arg7 : memref<112x128xf32, #tpu.memory_space<vmem>>) dst(%dma_wait3A_140 : memref<112x128xf32, #tpu.memory_space<hbm>>)
    %scan3A_141 = arith.constant 0 : i32
    %scan3A_142 = arith.constant 0 : i32
    %scan3A_143 = arith.constant 28 : i32
    %scan3A_144 = arith.addi %scan3A_142, %scan3A_143 : i32
    %scan3A_145 = arith.constant 1 : i32
    scf.for %scan3A_147 = %scan3A_142 to %scan3A_144 step %scan3A_145  : i32 {
      %dma_wait3A_148 = arith.constant 0 : i32
      %dma_wait3A_149 = arith.constant 128 : i32
      %dma_wait3A_150 = tpu.memref_slice %arg5[%select_n3A, %mul3A_32, %dma_wait3A_148, %dma_wait3A_149] : memref<4x224x224x384xf32, #tpu.memory_space<hbm>> -> memref<1x1x224x128xf32, #tpu.memory_space<hbm>>
      %dma_wait3A_151 = tpu.memref_squeeze %dma_wait3A_150 : memref<1x1x224x128xf32, #tpu.memory_space<hbm>> -> memref<224x128xf32, #tpu.memory_space<hbm>>
      %dma_wait3A_152 = arith.constant 0 : i32
      %dma_wait3A_153 = arith.constant 128 : i32
      %dma_wait3A_154 = tpu.memref_slice %arg5[%select_n3A, %mul3A_32, %dma_wait3A_152, %dma_wait3A_153] : memref<4x224x224x384xf32, #tpu.memory_space<hbm>> -> memref<1x1x224x128xf32, #tpu.memory_space<hbm>>
      %dma_wait3A_155 = tpu.memref_squeeze %dma_wait3A_154 : memref<1x1x224x128xf32, #tpu.memory_space<hbm>> -> memref<224x128xf32, #tpu.memory_space<hbm>>
      tpu.wait_dma2 semaphore(%arg14 : memref<!tpu.dma_semaphore, #tpu.memory_space<semaphore_mem>>) src(%arg8 : memref<224x128xf32, #tpu.memory_space<vmem>>) dst(%dma_wait3A_155 : memref<224x128xf32, #tpu.memory_space<hbm>>)
      %dma_wait3A_156 = arith.constant 0 : i32
      %dma_wait3A_157 = arith.constant 256 : i32
      %dma_wait3A_158 = tpu.memref_slice %arg5[%select_n3A, %mul3A_32, %dma_wait3A_156, %dma_wait3A_157] : memref<4x224x224x384xf32, #tpu.memory_space<hbm>> -> memref<1x1x224x128xf32, #tpu.memory_space<hbm>>
      %dma_wait3A_159 = tpu.memref_squeeze %dma_wait3A_158 : memref<1x1x224x128xf32, #tpu.memory_space<hbm>> -> memref<224x128xf32, #tpu.memory_space<hbm>>
      %dma_wait3A_160 = arith.constant 0 : i32
      %dma_wait3A_161 = arith.constant 256 : i32
      %dma_wait3A_162 = tpu.memref_slice %arg5[%select_n3A, %mul3A_32, %dma_wait3A_160, %dma_wait3A_161] : memref<4x224x224x384xf32, #tpu.memory_space<hbm>> -> memref<1x1x224x128xf32, #tpu.memory_space<hbm>>
      %dma_wait3A_163 = tpu.memref_squeeze %dma_wait3A_162 : memref<1x1x224x128xf32, #tpu.memory_space<hbm>> -> memref<224x128xf32, #tpu.memory_space<hbm>>
      tpu.wait_dma2 semaphore(%arg14 : memref<!tpu.dma_semaphore, #tpu.memory_space<semaphore_mem>>) src(%arg9 : memref<224x128xf32, #tpu.memory_space<vmem>>) dst(%dma_wait3A_163 : memref<224x128xf32, #tpu.memory_space<hbm>>)
    }
    %scan3A_146 = arith.constant 28 : i32
    return
  }
}

</mosaic_0001>

<sc_bundles>
// kernel: kernel.3.cloned.1.call-start
scs
__scs_entry_jumppad:
0x0: {  	(pc) =	sbr.rel $0x88, $3  }
0x1: {  	(tag) =	ssettag $0x0;
	lr =	simm.s32 $0x1  }
0x2: {  	[smem:$0x3F9E] =	sst lr;
	_ =	strace $0xD0000000  }
0x3: {  	_ = 	snop  }
0x4: {  	_ = 	snop  }
0x5: {  	_ = 	snop  }
0x6: {  	_ = 	snop  }
0x7: {  	_ = 	snop  }
__scs_overlays_trampoline_lowered:
0x8: {  	[smem:$0x3FAD] =	sst s0  }
0x9: {  	[smem:$0x3FAE] =	sst s1  }
0xa: {  	[smem:$0x3FAF] =	sst s2  }
0xb: {  	[smem:$0x3FB0] =	sst s3  }
0xc: {  	[smem:$0x3FB1] =	sst s4  }
0xd: {  	[smem:$0x3FB2] =	sst s5  }
0xe: {  	[smem:$0x3FB3] =	sst s6  }
0xf: {  	[smem:$0x3FB4] =	sst s7  }
0x10: {  	[smem:$0x3FB5] =	sst s8  }
0x11: {  	[smem:$0x3FB6] =	sst s9;
	s0 =	simm.s32 @!p0 $0x0  }
0x12: {  	s1 =	sld [smem:$0x3F9C];
	s0 =	simm.s32 @p0 $0x1  }
0x13: {  	[smem:$0x3FB7] =	sst s0;
	s0 =	simm.s32 @!p1 $0x0  }
0x14: {  	s2 =	sld [smem:$0x3F9B];
	s0 =	simm.s32 @p1 $0x1  }
0x15: {  	[smem:$0x3FB8] =	sst s0;
	s0 =	simm.s32 @!p2 $0x0  }
0x16: {  	s3 =	sld [smem:$0x3FDB];
	s0 =	simm.s32 @p2 $0x1  }
0x17: {  	s4 =	simm.s32 $0x1BF5;
	[smem:$0x3FBA] =	sst s0  }
0x18: {  	s0 =	sld [smem:$0x3F9D];
	_ =	swait.ge [sflag:s4], $0x0  }
0x19: {  	s7 =	sld [smem:$0x3F9E]  }
0x1a: {  	s8 =	sadd.s32 $0xFFFFE003, lr  }
0x1b: {  	s9 =	sadd.s32 $0xFFFFFEF7, lr;
	s5 =	simm.s32 $0xFFFFFFFF;
	p2 =	slt.u32 s8, $0xFFFFF086  }
0x1c: {  	p1 =	slt.u32 s9, $0xF7A;
	s5 =	simm.s32 @!p2 $0x0  }
0x1d: {  	s5 =	simm.s32 @p1 $0x1;
	p0 =	seq.s32 s7, s2  }
0x1e: {  	s7 =	smul.u32 @!p0 $0xF7A, s2;
	p2 =	seq.s32 @!p0 s5, $0x0  }
0x1f: {  	s9 =	smul.u32 $0xF7A, s1;
	s8 =	simm.s32 @!p0 $0x1BF5;
	p2 =	por !p2, p0  }
0x20: {  	[sflag:s8] =	ssyncset.s32 @!p0 $0xFFFFF086;
	s6 =	sadd.s32 @!p0 s3, s7;
	s7 =	simm.s32 @!p0 $0x108  }
0x21: {  	s3 =	sadd.s32 s3, s9;
	s6 =	sadd.s32 @!p0 $0x88, s6;
	s7 =	simm.s32 @p2 $0x1082  }
0x22: {  	[simem:s7], [sflag:s8] =	dma.local @!p0 [hbm:s6], $0xF7A  }
0x23: {  	s9 =	sor.u32 $0xD0000000, s2;
	s6 =	simm.s32 $0x108;
	_ =	swait.ge @!p0 [sflag:s8], $0x0  }
0x24: {  	s3 =	sadd.s32 $0x88, s3;
	s6 =	simm.s32 @!p1 $0x1082;
	[sflag:s4] =	ssyncset.s32 $0xFFFFF086  }
0x25: {  	[simem:s6], [sflag:s4] =	dma.local [hbm:s3], $0xF7A  }
0x26: {  	[smem:$0x3F9E] =	sst s1;
	(tag) =	ssettag s2;
	_ =	strace s9  }
0x27: {  	s1 =	sld [smem:$0x3FAE]  }
0x28: {  	s2 =	sld [smem:$0x3FAF]  }
0x29: {  	s4 =	sld [smem:$0x3FB1]  }
0x2a: {  	p0 =	seq.s32 s5, $0x0;
	s5 =	sld [smem:$0x3FB2]  }
0x2b: {  	s6 =	sld [smem:$0x3FB3]  }
0x2c: {  	s7 =	sld [smem:$0x3FB4]  }
0x2d: {  	s3 =	simm.s32 $0x108;
	s8 =	sld [smem:$0x3FB5]  }
0x2e: {  	s3 =	simm.s32 @!p0 $0x1082;
	s9 =	sld [smem:$0x3FB6]  }
0x2f: {  	lr =	sadd.s32 s0, s3;
	s0 =	sld [smem:$0x3FAD]  }
0x30: {  	s3 =	sld [smem:$0x3FB0]  }
0x31: {  	[smem:$0x3FB9] =	sst s10  }
0x32: {  	s10 =	sld [smem:$0x3FB7];
	_ =	sdelay $0x3  }
0x33: {  	p0 =	seq.s32 s10, $0x1;
	s10 =	sld [smem:$0x3FB9];
	_ =	sdelay $0x3  }
0x34: {  	[smem:$0x3FB9] =	sst s10  }
0x35: {  	s10 =	sld [smem:$0x3FB8];
	_ =	sdelay $0x3  }
0x36: {  	p1 =	seq.s32 s10, $0x1;
	s10 =	sld [smem:$0x3FB9];
	_ =	sdelay $0x3  }
0x37: {  	[smem:$0x3FB9] =	sst s10  }
0x38: {  	s10 =	sld [smem:$0x3FBA]  }
0x39: {  	_ = 	snop;
	(pc) =	sbr.ind lr, $3  }
0x3a: {  	_ = 	snop  }
0x3b: {  	_ = 	snop  }
0x3c: {  	p2 =	seq.s32 s10, $0x1;
	s10 =	sld [smem:$0x3FB9]  }
0x3d: {  	_ =	shalt  }
0x3e: {  	_ =	shalt  }
0x3f: {  	_ =	shalt  }
0x40: {  	_ =	shalt  }
0x41: {  	_ =	shalt  }
0x42: {  	_ =	shalt  }
0x43: {  	_ =	shalt  }
0x44: {  	_ =	shalt  }
0x45: {  	_ =	shalt  }
0x46: {  	_ =	shalt  }
0x47: {  	_ =	shalt  }
0x48: {  	_ =	shalt  }
0x49: {  	_ =	shalt  }
0x4a: {  	_ =	shalt  }
0x4b: {  	_ =	shalt  }
0x4c: {  	_ =	shalt  }
0x4d: {  	_ =	shalt  }
0x4e: {  	_ =	shalt  }
0x4f: {  	_ =	shalt  }
0x50: {  	_ =	shalt  }
0x51: {  	_ =	shalt  }
0x52: {  	_ =	shalt  }
0x53: {  	_ =	shalt  }
0x54: {  	_ =	shalt  }
0x55: {  	_ =	shalt  }
0x56: {  	_ =	shalt  }
0x57: {  	_ =	shalt  }
0x58: {  	_ =	shalt  }
0x59: {  	_ =	shalt  }
0x5a: {  	_ =	shalt  }
0x5b: {  	_ =	shalt  }
0x5c: {  	_ =	shalt  }
0x5d: {  	_ =	shalt  }
0x5e: {  	_ =	shalt  }
0x5f: {  	_ =	shalt  }
0x60: {  	_ =	shalt  }
0x61: {  	_ =	shalt  }
0x62: {  	_ =	shalt  }
0x63: {  	_ =	shalt  }
0x64: {  	_ =	shalt  }
0x65: {  	_ =	shalt  }
0x66: {  	_ =	shalt  }
0x67: {  	_ =	shalt  }
0x68: {  	_ =	shalt  }
0x69: {  	_ =	shalt  }
0x6a: {  	_ =	shalt  }
0x6b: {  	_ =	shalt  }
0x6c: {  	_ =	shalt  }
0x6d: {  	_ =	shalt  }
0x6e: {  	_ =	shalt  }
0x6f: {  	_ =	shalt  }
0x70: {  	_ =	shalt  }
0x71: {  	_ =	shalt  }
0x72: {  	_ =	shalt  }
0x73: {  	_ =	shalt  }
0x74: {  	_ =	shalt  }
0x75: {  	_ =	shalt  }
0x76: {  	_ =	shalt  }
0x77: {  	_ =	shalt  }
0x78: {  	_ =	shalt  }
0x79: {  	_ =	shalt  }
0x7a: {  	_ =	shalt  }
0x7b: {  	_ =	shalt  }
0x7c: {  	_ =	shalt  }
0x7d: {  	_ =	shalt  }
0x7e: {  	_ =	shalt  }
0x7f: {  	_ =	shalt  }
0x80: {  	_ =	shalt  }
0x81: {  	_ =	shalt  }
0x82: {  	_ =	shalt  }
0x83: {  	_ =	shalt  }
0x84: {  	_ =	shalt  }
0x85: {  	_ =	shalt  }
0x86: {  	_ =	shalt  }
0x87: {  	_ =	shalt  }
.Lfunc_end0:
.L_simem_size_0:
called_computation_lowered:
.L_overlay_start_0:
0x88: {  	s2 =	sld [smem:$0x3FD9]  }
0x89: {  	s3 =	sld [smem:$0x3FFE];
	_ =	sdelay $0x1  }
0x8a: {  	s1 =	srdreg.scid  }
0x8b: {  	s0 =	sand.u32 $0x1, s1  }
0x8c: {  	s18 =	sshll.u32 s0, $0xA;
	s2 =	sadd.s32 s3, s2  }
0x8d: {  	s2 =	sadd.s32 s2, s18  }
0x8e: {  	[smem:$0x3FC5] =	sst s2  }
0x8f: {  	_ = 	snop  }
0x90: {  	s2 =	sld [smem:$0x3FC9]  }
0x91: {  	s19 =	sld [smem:$0x3FC8]  }
0x92: {  	s4 =	sld [smem:$0x3FC7]  }
0x93: {  	s5 =	sld [smem:$0x3FD0];
	(tm) =	ssettm $0x1  }
0x94: {  	s6 =	sld [smem:$0x3FFB];
	_ =	sdelay $0x3  }
0x95: {  	_ =	strace s6  }
0x96: {  	s6 =	sld [smem:$0x3FFC];
	_ =	sdelay $0x3  }
0x97: {  	_ =	strace s6  }
0x98: {  	s6 =	sld [smem:$0x3FFD];
	_ =	sdelay $0x3  }
0x99: {  	_ =	strace s6  }
0x9a: {  	_ =	strace $0x8FFFFFFF  }
0x9b: {  	s20 =	sld [smem:$0x3FDB];
	_ =	sdelay $0x1  }
0x9c: {  	s7 =	simm.s32 $_scs_section_size  }
0x9d: {  	s8 =	simm.s32 $_size__tile_overlayer_lowered;
	s9 =	simm.s32 $_tile_overlayer_lowered  }
0x9e: {  	s23 =	simm.s32 $0x1BFF;
	s22 =	sshll.u32 s9, $0x1;
	s6 =	sadd.s32 s7, s20  }
0x9f: {  	s10 =	simm.s32 $0x0;
	s21 =	sshll.u32 s8, $0x1;
	s8 =	sadd.s32 s22, s6  }
0xa0: {  	[timem:s10], [sflag:s23] =	dma.local [hbm:s8], s21  }
0xa1: {  	_ =	swait.ge [sflag:s23], s21  }
0xa2: {  	s7 =	ssub.s32 $0x0, s21;
	[sflag:s23] =	ssyncset.done $0x0  }
0xa3: {  	[sflag:s23] =	ssyncadd.s32 s7;
	_ =	sdelay $0x1  }
0xa4: {  	s24 =	simm.s32 $0x1B8B  }
0xa5: {  	_ =	swait.ge [sflag:s24], $0x1  }
0xa6: {  	[sflag:s24] =	ssyncset.done $0x0  }
0xa7: {  	s25 =	simm.s32 $0x1B8E;
	[sflag:s24] =	ssyncadd.s32 $0xFFFFFFFF  }
0xa8: {  	s26 =	simm.s32 $execute0_lowered;
	[smem:$0x3FD2] =	sst s25  }
0xa9: {  	s7 =	sshll.u32 s26, $0x1;
	_ =	strace $0x80000046;
	[dreg:$0x1] =	wrdreg $0xFFFFFFFF  }
0xaa: {  	s28 =	simm.s32 $_size_execute0_lowered;
	s6 =	sadd.s32 s6, s7;
	[dreg:$0x0] =	wrdreg $0x0  }
0xab: {  	s7 =	sshll.u32 s28, $0x1;
	[dreg:$0x2] =	wrdreg s6  }
0xac: {  	[dreg:$0x3] =	wrdreg s7  }
0xad: {  	[dreg:$0x4] =	wrdreg $0xC0  }
0xae: {  	_ =	task [dreg:s10], $0x5FFFF  }
0xaf: {  	[dreg:$0x1] =	wrdreg $0xFFFFFFFF  }
0xb0: {  	[dreg:$0x0] =	wrdreg $0x60  }
0xb1: {  	[dreg:$0x2] =	wrdreg s19  }
0xb2: {  	[dreg:$0x3] =	wrdreg s2  }
0xb3: {  	[dreg:$0x4] =	wrdreg s4  }
0xb4: {  	[dreg:$0x5] =	wrdreg s5  }
0xb5: {  	[dreg:$0x6] =	wrdreg $0x9  }
0xb6: {  	_ =	task.clear_ibuf [dreg:s10], $0x7FFFF;
	_ =	strace $0x90000046  }
0xb7: {  	s29 =	simm.s32 $0x9;
	_ =	strace $0x80000048  }
0xb8: {  	_ =	swait.ge [sflag:s29], $0x1  }
0xb9: {  	[sflag:s29] =	ssyncadd.s32 $0xFFFFFFFF  }
0xba: {  	_ =	strace $0x90000048  }
0xbb: {  	_ =	sfence  }
0xbc: {  	s30 =	sld [smem:$0x0];
	_ =	sdelay $0x2  }
0xbd: {  	s31 =	sshll.u32 s1, $0xD;
	s1 =	sshrl.u32 s1, $0x2  }
0xbe: {  	s3 =	sand.u32 $0x4000, s31;
	s1 =	sadd.s32 s1, s30  }
0xbf: {  	s0 =	sor.u32 s3, s0;
	s1 =	sshll.u32 s1, $0x11  }
0xc0: {  	s0 =	sor.u32 s1, s0  }
0xc1: {  	s0 =	sadd.s32 $0x8F2B, s0  }
0xc2: {  	[sflag:s0] =	ssyncadd.remote.s32 $0x1  }
0xc3: {  	_ =	sfence.sel $0xFFFF  }
0xc4: {  	[dreg:$0x0] =	wrdreg $0xFFFFFFFF;
	(pc) =	sbr.abs _section_cstart, $3  }
0xc5: {  	[dreg:$0x1] =	wrdreg $0xFFFFFFFF  }
0xc6: {  	_ =	task.clear_ibuf [dreg:s10], $0x2FFFF;
	_ =	strace $0x9FFFFFFF  }
0xc7: {  	(tm) =	ssettm $0x7FFFFFFF  }
tec
execute0_lowered:
.L_overlay_start_1:
0x0: {  	(tag) =	ssettag $0x1  }
0x1: {  	s1 =	rddreg [dreg:$0x0]  }
0x2: {  	s2 =	rddreg [dreg:$0x1]  }
0x3: {  	s3 =	rddreg [dreg:$0x2]  }
0x4: {  	s5 =	rddreg [dreg:$0x3]  }
0x5: {  	s0 =	rddreg [dreg:$0x4]  }
0x6: {  	s6 =	simm.s32 $0x0;
	s7 =	srdreg.scid;
	s4 =	stileid.u32  }
0x7: {  	s13 =	simm.s32 $0x7000;
	s14 =	simm.s32 $0x15000;
	s15 =	simm.s32 $0x1C000  }
0x8: {  	s16 =	simm.s32 $0x1;
	s17 =	simm.s32 $0x400;
	s18 =	simm.s32 $0xC00  }
0x9: {  	s19 =	simm.s32 $0xE000;
	s20 =	simm.s32 $0x3800;
	s21 =	simm.s32 $0x2  }
0xa: {  	s22 =	simm.s32 $0x3;
	s23 =	simm.s32 $0x0;
	s8 =	sshll.u32 s4, $0x1  }
0xb: {  	[smem:$0x7FF] =	sst s6;
	s7 =	sand.u32 $0x1, s7;
	s8 =	sand.u32 $0x6, s8  }
0xc: {  	s11 =	sshrl.u32 s4, $0x2;
	s9 =	ssub.s32 $0x2, s7;
	s7 =	sor.u32 s7, s8  }
0xd: {  	_ =	strace $0x80000047;
	s10 =	sshrl.u32 s9, $0x1;
	s7 =	smul.u32 $0x1C, s7  }
0xe: {  	s8 =	sshll.u32 s11, $0x7;
	s12 =	ssub.s32 s9, s10;
	s9 =	smul.u32 $0x1260000, s11  }
0xf: {  	s10 =	sadd.s32 $0x80, s5;
	s11 =	sadd.s32 $0x100, s5;
	s12 =	smax.u32 s12, $0x1  }
.LBB2_1:
0x10: {  	[tilespmem:s13], [sflag:$0x1] =	stream.linear.gather [hbm4b:s2+s6], $0x7000, $0x38;
	[tilespmem:$0x1C200] =	vst v63  }
0x11: {  	_ = 	snop  }
0x12: {  	[tilespmem:s14], [sflag:$0x1] =	stream.linear.gather [hbm4b:s1+s6], $0x7000, $0x38;
	[tilespmem:$0x1C200] =	vst v63  }
0x13: {  	_ = 	snop  }
0x14: {  	[tilespmem:s15], [sflag:$0x1] =	stream.linear.gather [hbm4b:s3+s6], $0x200, $0x38;
	[tilespmem:$0x1C200] =	vst v63  }
0x15: {  	_ =	swait.ge [sflag:s16], $0x7000  }
0x16: {  	[sflag:s16] =	ssyncset.done $0x0  }
0x17: {  	[sflag:s16] =	ssyncadd.s32 $0xFFFF9000  }
0x18: {  	_ =	swait.ge [sflag:s16], $0x7000  }
0x19: {  	[sflag:s16] =	ssyncset.done $0x0  }
0x1a: {  	[sflag:s16] =	ssyncadd.s32 $0xFFFF9000  }
0x1b: {  	_ =	swait.ge [sflag:s16], $0x200  }
0x1c: {  	[sflag:s16] =	ssyncset.done $0x0  }
0x1d: {  	[sflag:s16] =	ssyncadd.s32 $0xFFFFFE00  }
0x1e: {  	v0 =	vld [tilespmem:s8+$0x1C000]  }
0x1f: {  	v1 =	vld [tilespmem:s8+$0x1C010]  }
0x20: {  	v2 =	vld [tilespmem:s8+$0x1C020]  }
0x21: {  	v7 =	vld [tilespmem:s8+$0x1C070]  }
0x22: {  	v3 =	vld [tilespmem:s8+$0x1C030]  }
0x23: {  	v4 =	vld [tilespmem:s8+$0x1C040]  }
0x24: {  	v5 =	vld [tilespmem:s8+$0x1C050]  }
0x25: {  	s24 =	simm.s32 $0x0;
	s25 =	simm.s32 $0x200;
	v6 =	vld [tilespmem:s8+$0x1C060]  }
.LBB2_2:
0x26: {  	p0 =	sne.s32 s25, $0x1BE00;
	[tilespmem:s24+$0xE070] =	vst v7  }
0x27: {  	[tilespmem:s24+$0xE000] =	vst v0  }
0x28: {  	[tilespmem:s24+$0xE010] =	vst v1  }
.Ltmp0:
0x29: {  	[tilespmem:s24+$0xE020] =	vst v2;
	(pc) =	sbr.rel @p0 .LBB2_2-.Ltmp0, $4  }
0x2a: {  	[tilespmem:s24+$0xE030] =	vst v3  }
0x2b: {  	[tilespmem:s24+$0xE040] =	vst v4  }
0x2c: {  	[tilespmem:s24+$0xE050] =	vst v5  }
0x2d: {  	[tilespmem:s24+$0xE060] =	vst v6;
	s24 =	sshra.s32 s25, $0x2;
	s25 =	sadd.s32 $0x200, s25  }
0x2e: {  	[tilespmem:s24+$0xE070] =	vst v7  }
0x2f: {  	[tilespmem:s24+$0xE000] =	vst v0  }
0x30: {  	[tilespmem:s24+$0xE010] =	vst v1  }
.Ltmp1:
0x31: {  	[tilespmem:s24+$0xE020] =	vst v2;
	(pc) =	sbr.rel .LBB2_4-.Ltmp1, $4  }
0x32: {  	[tilespmem:s24+$0xE030] =	vst v3  }
0x33: {  	[tilespmem:s24+$0xE040] =	vst v4  }
0x34: {  	[tilespmem:s24+$0xE050] =	vst v5  }
0x35: {  	[tilespmem:s24+$0xE060] =	vst v6;
	s24 =	simm.s32 $0x0  }
.LBB2_11:
0x36: {  	s24 =	sadd.s32 $0x1, s24  }
0x37: {  	p0 =	sne.s32 s24, $0x1C  }
.Ltmp2:
0x38: {  	_ = 	snop;
	(pc) =	sbr.rel @!p0 .LBB2_12-.Ltmp2, $1  }
0x39: {  	_ =	sdelay $0x3  }
.LBB2_4:
0x3a: {  	s26 =	sadd.s32 s7, s24  }
0x3b: {  	s25 =	smul.u32 $0x15000, s26;
	_ =	sdelay $0x1  }
0x3c: {  	s25 =	sadd.s32 s9, s25  }
0x3d: {  	s25 =	sshrl.u32 s25, $0x3  }
0x3e: {  	s28 =	sadd.s32 s25, s10  }
0x3f: {  	[hbm4b:s28+s17] =	stream.strided.scatter [tilespmem:s13], [sflag:$0x3], $0x7000, s18, s17, $0x38;
	[tilespmem:$0x1C200] =	vst v63  }
0x40: {  	s28 =	sadd.s32 s25, s11  }
0x41: {  	[hbm4b:s28+s17] =	stream.strided.scatter [tilespmem:s19], [sflag:$0x3], $0x7000, s18, s17, $0x38;
	[tilespmem:$0x1C200] =	vst v63  }
0x42: {  	s28 =	sand.u32 $0x1, s24  }
0x43: {  	p0 =	seq.s32 s28, $0x1  }
.Ltmp3:
0x44: {  	_ = 	snop;
	(pc) =	sbr.rel @p0 .LBB2_8-.Ltmp3, $1  }
0x45: {  	_ =	sdelay $0x3  }
0x46: {  	p0 =	slt.u32 s24, $0x2  }
0x47: {  	s29 =	simm.s32 @!p0 $0x1  }
0x48: {  	_ =	swait.ge @!p0 [sflag:s29], $0x3800  }
0x49: {  	[sflag:s29] =	ssyncset.done @!p0 $0x0  }
0x4a: {  	[sflag:s29] =	ssyncadd.s32 @!p0 $0xFFFFC800  }
0x4b: {  	_ =	swait.ge @!p0 [sflag:s29], $0x3800  }
0x4c: {  	s30 =	sshll.u32 s26, $0x7;
	[sflag:s29] =	ssyncset.done @!p0 $0x0  }
0x4d: {  	[sflag:s29] =	ssyncadd.s32 @!p0 $0xFFFFC800;
	s29 =	sand.u32 $0x3FFFFF80, s30  }
0x4e: {  	v0 =	vld [tilespmem:s29+$0x15000]  }
0x4f: {  	v1 =	vld [tilespmem:s29+$0x15010]  }
0x50: {  	v2 =	vld [tilespmem:s29+$0x15020]  }
0x51: {  	v7 =	vld [tilespmem:s29+$0x15070]  }
0x52: {  	v3 =	vld [tilespmem:s29+$0x15030]  }
0x53: {  	v4 =	vld [tilespmem:s29+$0x15040]  }
0x54: {  	v5 =	vld [tilespmem:s29+$0x15050]  }
0x55: {  	s30 =	simm.s32 $0x200;
	v6 =	vld [tilespmem:s29+$0x15060];
	s29 =	simm.s32 $0x0  }
.LBB2_6:
0x56: {  	p0 =	sne.s32 s30, $0xDE00;
	[tilespmem:s29+$0x70] =	vst v7  }
0x57: {  	[tilespmem:s29+$0x0] =	vst v0  }
0x58: {  	[tilespmem:s29+$0x10] =	vst v1  }
.Ltmp4:
0x59: {  	[tilespmem:s29+$0x20] =	vst v2;
	(pc) =	sbr.rel @p0 .LBB2_6-.Ltmp4, $4  }
0x5a: {  	[tilespmem:s29+$0x30] =	vst v3  }
0x5b: {  	[tilespmem:s29+$0x40] =	vst v4  }
0x5c: {  	[tilespmem:s29+$0x50] =	vst v5  }
0x5d: {  	[tilespmem:s29+$0x60] =	vst v6;
	s29 =	sshra.s32 s30, $0x2;
	s30 =	sadd.s32 $0x200, s30  }
0x5e: {  	[tilespmem:s29+$0x70] =	vst v7  }
0x5f: {  	[tilespmem:s29+$0x0] =	vst v0  }
0x60: {  	[tilespmem:s29+$0x10] =	vst v1  }
0x61: {  	[tilespmem:s29+$0x20] =	vst v2  }
0x62: {  	[tilespmem:s29+$0x30] =	vst v3  }
0x63: {  	[tilespmem:s29+$0x40] =	vst v4;
	p0 =	seq.s32 s28, $0x0  }
.Ltmp5:
0x64: {  	[tilespmem:s29+$0x50] =	vst v5;
	(pc) =	sbr.rel @p0 .LBB2_11-.Ltmp5, $4  }
0x65: {  	[tilespmem:s29+$0x60] =	vst v6;
	s31 =	sadd.s32 s5, s25  }
0x66: {  	[hbm4b:s31+s17] =	stream.strided.scatter [tilespmem:s6], [sflag:$0x1], $0x3800, s18, s17, $0x38;
	[tilespmem:$0x1C200] =	vst v63  }
0x67: {  	s29 =	sadd.s32 $0x1500, s31  }
0x68: {  	[hbm4b:s29+s17] =	stream.strided.scatter [tilespmem:s6], [sflag:$0x1], $0x3800, s18, s17, $0x38;
	[tilespmem:$0x1C200] =	vst v63  }
.LBB2_8:
0x69: {  	p0 =	slt.u32 s24, $0x3  }
0x6a: {  	s28 =	simm.s32 @!p0 $0x2  }
0x6b: {  	_ =	swait.ge @!p0 [sflag:s28], $0x3800  }
0x6c: {  	[sflag:s28] =	ssyncset.done @!p0 $0x0  }
0x6d: {  	[sflag:s28] =	ssyncadd.s32 @!p0 $0xFFFFC800  }
0x6e: {  	_ =	swait.ge @!p0 [sflag:s28], $0x3800  }
0x6f: {  	s26 =	sshll.u32 s26, $0x7;
	[sflag:s28] =	ssyncset.done @!p0 $0x0  }
0x70: {  	s26 =	sand.u32 $0x3FFFFF80, s26;
	[sflag:s28] =	ssyncadd.s32 @!p0 $0xFFFFC800  }
0x71: {  	v0 =	vld [tilespmem:s26+$0x15000]  }
0x72: {  	v1 =	vld [tilespmem:s26+$0x15010]  }
0x73: {  	v2 =	vld [tilespmem:s26+$0x15020]  }
0x74: {  	v7 =	vld [tilespmem:s26+$0x15070]  }
0x75: {  	v3 =	vld [tilespmem:s26+$0x15030]  }
0x76: {  	v4 =	vld [tilespmem:s26+$0x15040]  }
0x77: {  	v5 =	vld [tilespmem:s26+$0x15050]  }
0x78: {  	s28 =	simm.s32 $0x200;
	v6 =	vld [tilespmem:s26+$0x15060];
	s26 =	simm.s32 $0x0  }
.LBB2_9:
0x79: {  	p0 =	sne.s32 s28, $0xDE00;
	[tilespmem:s26+$0x3870] =	vst v7  }
0x7a: {  	[tilespmem:s26+$0x3800] =	vst v0  }
0x7b: {  	[tilespmem:s26+$0x3810] =	vst v1  }
.Ltmp6:
0x7c: {  	[tilespmem:s26+$0x3820] =	vst v2;
	(pc) =	sbr.rel @p0 .LBB2_9-.Ltmp6, $4  }
0x7d: {  	[tilespmem:s26+$0x3830] =	vst v3  }
0x7e: {  	[tilespmem:s26+$0x3840] =	vst v4  }
0x7f: {  	[tilespmem:s26+$0x3850] =	vst v5  }
0x80: {  	[tilespmem:s26+$0x3860] =	vst v6;
	s26 =	sshra.s32 s28, $0x2;
	s28 =	sadd.s32 $0x200, s28  }
0x81: {  	[tilespmem:s26+$0x3870] =	vst v7  }
0x82: {  	[tilespmem:s26+$0x3800] =	vst v0  }
0x83: {  	[tilespmem:s26+$0x3810] =	vst v1  }
0x84: {  	[tilespmem:s26+$0x3820] =	vst v2  }
0x85: {  	[tilespmem:s26+$0x3830] =	vst v3  }
0x86: {  	[tilespmem:s26+$0x3840] =	vst v4  }
.Ltmp7:
0x87: {  	[tilespmem:s26+$0x3850] =	vst v5;
	(pc) =	sbr.rel .LBB2_11-.Ltmp7, $4  }
0x88: {  	[tilespmem:s26+$0x3860] =	vst v6;
	s25 =	sadd.s32 s5, s25  }
0x89: {  	[hbm4b:s25+s17] =	stream.strided.scatter [tilespmem:s20], [sflag:$0x2], $0x3800, s18, s17, $0x38;
	[tilespmem:$0x1C200] =	vst v63  }
0x8a: {  	s25 =	sadd.s32 $0x1500, s25  }
0x8b: {  	[hbm4b:s25+s17] =	stream.strided.scatter [tilespmem:s20], [sflag:$0x2], $0x3800, s18, s17, $0x38;
	[tilespmem:$0x1C200] =	vst v63  }
.LBB2_12:
0x8c: {  	_ =	swait.ge [sflag:s16], $0x3800  }
0x8d: {  	[sflag:s16] =	ssyncset.done $0x0  }
0x8e: {  	[sflag:s16] =	ssyncadd.s32 $0xFFFFC800  }
0x8f: {  	_ =	swait.ge [sflag:s16], $0x3800  }
0x90: {  	[sflag:s16] =	ssyncset.done $0x0  }
0x91: {  	[sflag:s16] =	ssyncadd.s32 $0xFFFFC800  }
0x92: {  	_ =	swait.ge [sflag:s21], $0x3800  }
0x93: {  	[sflag:s21] =	ssyncset.done $0x0  }
0x94: {  	[sflag:s21] =	ssyncadd.s32 $0xFFFFC800  }
0x95: {  	_ =	swait.ge [sflag:s21], $0x3800  }
0x96: {  	[sflag:s21] =	ssyncset.done $0x0  }
0x97: {  	[sflag:s21] =	ssyncadd.s32 $0xFFFFC800  }
0x98: {  	_ =	swait.ge [sflag:s22], $0x7000  }
0x99: {  	[sflag:s22] =	ssyncset.done $0x0  }
0x9a: {  	[sflag:s22] =	ssyncadd.s32 $0xFFFF9000  }
0x9b: {  	_ =	swait.ge [sflag:s22], $0x7000  }
0x9c: {  	s24 =	simm.s32 $0x1B;
	[sflag:s22] =	ssyncset.done $0x0  }
.LBB2_13:
0x9d: {  	p0 =	sne.s32 s24, $0x1;
	s24 =	sadd.s32 $0xFFFFFFFF, s24;
	[sflag:s22] =	ssyncadd.s32 $0xFFFF9000  }
.Ltmp8:
0x9e: {  	_ =	swait.ge [sflag:s22], $0x7000;
	(pc) =	sbr.rel @p0 .LBB2_13-.Ltmp8, $4  }
0x9f: {  	[sflag:s22] =	ssyncset.done $0x0  }
0xa0: {  	[sflag:s22] =	ssyncadd.s32 $0xFFFF9000  }
0xa1: {  	_ =	swait.ge [sflag:s22], $0x7000  }
0xa2: {  	[sflag:s22] =	ssyncset.done $0x0  }
0xa3: {  	s23 =	sadd.s32 $0x1, s23  }
0xa4: {  	p0 =	sne.s32 s23, s12  }
.Ltmp9:
0xa5: {  	_ = 	snop;
	(pc) =	sbr.rel @p0 .LBB2_1-.Ltmp9, $2  }
0xa6: {  	_ =	sdelay $0x2  }
0xa7: {  	[sflag:s22] =	ssyncadd.s32 $0xFFFF9000  }
0xa8: {  	_ =	sfence.sel $0x180000  }
0xa9: {  	[bflag:$0x0] =	sbarrier.arrive $0xFFFF  }
0xaa: {  	p0 =	sne.s32 s4, $0x0;
	_ =	strace $0x90000047  }
0xab: {  	s0 =	sadd.s32 @!p0 $0x100000, s0;
	[bflag:$0x2] =	sbarrier.arrive $0xFFFF  }
0xac: {  	[sflag:s0] =	ssyncadd.tile.s32 @!p0 $0x1;
	_ =	shalt  }
.Lfunc_end2:
_tile_overlayer_lowered:
.L_overlay_start_2:
0xad: {  	(tag) =	ssettag $0x2  }
0xae: {  	s0 =	rddreg [dreg:$0x0];
	s2 =	stileid.u32  }
0xaf: {  	s1 =	rddreg [dreg:$0x1];
	p0 =	sne.s32 s2, $0x0  }
0xb0: {  	s3 =	rddreg [dreg:$0x2];
	[bflag:$0x3] =	sbarrier.arrive $0xFFFF;
	s2 =	simm.s32 @!p0 $0x1C04  }
0xb1: {  	[timem:s3], [sflag:s2] =	dma.local @!p0 [hbm:s0], s1  }
0xb2: {  	s0 =	simm.s32 @!p0 $0x4  }
0xb3: {  	_ =	swait.ge @!p0 [sflag:s0], s1  }
0xb4: {  	s1 =	ssub.s32 @!p0 $0x0, s1;
	[sflag:s0] =	ssyncset.done @!p0 $0x0  }
0xb5: {  	[sflag:s0] =	ssyncadd.s32 @!p0 s1  }
0xb6: {  	[bflag:$0x3] =	sbarrier.arrive $0xFFFF  }
0xb7: {  	_ =	shalt  }

</sc_bundles>
